<compile_context>
chip_gen: v7x
topology: tpu7x:2x2x1
jax: 0.10.2.dev20260603
libtpu: 0.0.44.dev20260713+nightly
codegen_flags: <defaults>
</compile_context>

<pallas_src>
import functools

import numpy as np
import jax
import jax.numpy as jnp
from jax import lax
from jax.experimental import pallas as pl
from jax.experimental.pallas import tpu as pltpu
from jax.experimental.pallas import tpu_sc as plsc

N_NODES = 79
NP = 80
CH = 128
HID = 256

_POS_INDICES = [120, 124, 128, 132, 136, 140, 144, 148, 152, 237, 241, 245,
                249, 253, 257, 261, 265, 269, 354, 358, 362, 366, 370, 374,
                378, 382, 386, 471, 475, 479, 483, 487, 491, 495, 499, 503,
                588, 592, 596, 600, 604, 608, 612, 616, 620, 705, 709, 713,
                717, 721, 725, 729, 733, 737, 822, 826, 830, 834, 838, 842,
                846, 850, 854, 48, 53, 60, 67, 73, 157, 352, 388, 583, 586,
                817, 901, 906, 913, 920, 926]


def _positions_np():
    height, width = 25, 39
    pf = np.zeros((N_NODES, 30), dtype=np.float32)
    mults = [2, 5, 12, 30, 100, 100, 100]
    for i, p in enumerate(_POS_INDICES):
        x = p % width
        y = p // width
        xn = x / (width - 1)
        yn = y / (height - 1)
        pf[i, 0] = xn
        pf[i, 1] = yn
        for k, m in enumerate(mults):
            c = 2 + 4 * k
            pf[i, c + 0] = np.sin(xn * m * np.pi) + 1
            pf[i, c + 1] = np.cos(xn * m * np.pi) + 1
            pf[i, c + 2] = np.sin(yn * m * np.pi) + 1
            pf[i, c + 3] = np.cos(yn * m * np.pi) + 1
    return pf



def _build_adjacency_sc(edge_index):
    E = edge_index.shape[1]
    Epad = ((E + 15) // 16) * 16
    if Epad != E:
        pad = jnp.full((2, Epad - E), NP - 1, dtype=edge_index.dtype)
        edge_index = jnp.concatenate([edge_index, pad], axis=1)
    EG = Epad // 16
    lsz = ((Epad + 2 + 15) // 16) * 16
    lut_np = np.zeros((lsz,), dtype=np.float32)
    lut_np[1:] = 1.0 / np.sqrt(np.arange(1, lsz, dtype=np.float64))
    lut = jnp.asarray(lut_np)

    mesh = plsc.VectorSubcoreMesh(core_axis_name="c", subcore_axis_name="s")

    @functools.partial(
        pl.kernel,
        out_type=jax.ShapeDtypeStruct((NP * NP,), jnp.float32),
        mesh=mesh,
        scratch_types=[
            pltpu.VMEM((2, Epad), jnp.int32),
            pltpu.VMEM((lsz,), jnp.float32),
            pltpu.VMEM((16 * NP,), jnp.float32),
            pltpu.VMEM((NP,), jnp.float32),
            pltpu.VMEM((16 * NP * NP,), jnp.float32),
            pltpu.VMEM((NP * NP,), jnp.float32),
        ],
        compiler_params=pltpu.CompilerParams(needs_layout_passes=False),
    )
    def build(edge_hbm, lut_hbm, out_hbm, ed_v, lut_v, degp_v, dis_v,
              ap_v, a_v):
        wid = lax.axis_index("s") * 2 + lax.axis_index("c")

        @pl.when(wid == 0)
        def _():
            pltpu.sync_copy(edge_hbm, ed_v)
            pltpu.sync_copy(lut_hbm, lut_v)
            lane = lax.iota(jnp.int32, 16)
            zero16 = jnp.zeros((16,), jnp.float32)
            one16 = jnp.ones((16,), jnp.float32)

            for k in range((16 * NP) // 16):
                degp_v[pl.ds(k * 16, 16)] = zero16

            def deg_body(g, _):
                d16 = ed_v[1, pl.ds(g * 16, 16)]
                idx = lane * NP + d16
                cur = plsc.load_gather(degp_v, [idx])
                plsc.store_scatter(degp_v, [idx], cur + one16)
                return 0
            lax.fori_loop(0, EG, deg_body, 0)

            for c in range(NP // 16):
                acc = one16
                for r in range(16):
                    acc = acc + degp_v[pl.ds(r * NP + c * 16, 16)]
                dis_v[pl.ds(c * 16, 16)] = plsc.load_gather(
                    lut_v, [acc.astype(jnp.int32)])

            def zero_body(k, _):
                for u in range(16):
                    ap_v[pl.ds(k * 256 + u * 16, 16)] = zero16
                return 0
            lax.fori_loop(0, (16 * NP * NP) // 256, zero_body, 0)

            def edge_body(g, _):
                s16 = ed_v[0, pl.ds(g * 16, 16)]
                d16 = ed_v[1, pl.ds(g * 16, 16)]
                nrm = (plsc.load_gather(dis_v, [s16]) *
                       plsc.load_gather(dis_v, [d16]))
                idx = lane * (NP * NP) + d16 * NP + s16
                cur = plsc.load_gather(ap_v, [idx])
                plsc.store_scatter(ap_v, [idx], cur + nrm)
                return 0
            lax.fori_loop(0, EG, edge_body, 0)

            def red_body(k, _):
                acc = jnp.zeros((16,), jnp.float32)
                for r in range(16):
                    acc = acc + ap_v[pl.ds(r * (NP * NP) + k * 16, 16)]
                a_v[pl.ds(k * 16, 16)] = acc
                return 0
            lax.fori_loop(0, (NP * NP) // 16, red_body, 0)

            for c in range(NP // 16):
                i16 = lane + c * 16
                dsq = dis_v[pl.ds(c * 16, 16)]
                idx = i16 * (NP + 1)
                cur = plsc.load_gather(a_v, [idx])
                plsc.store_scatter(a_v, [idx], cur + dsq * dsq,
                                   mask=i16 < N_NODES)

            pltpu.sync_copy(a_v, out_hbm)

    return build(edge_index.astype(jnp.int32), lut).reshape(NP, NP)



def _tc_body(Bt, state_ref, pos_ref, ap_ref, w1, b1, w2, b2, w3, b3,
             lw1, lb1, lw2, lb2, lw3r, lb3, act_ref, reg_ref):
    f32 = jnp.float32
    bf16 = jnp.bfloat16
    st = state_ref[...]
    ps = jnp.broadcast_to(pos_ref[...], (Bt, N_NODES, 30))
    x = jnp.concatenate([st, ps], axis=2)
    x = jnp.concatenate(
        [x, jnp.zeros((Bt, NP - N_NODES, CH), f32)], axis=1)
    ap = ap_ref[...]

    xf = jnp.reshape(x, (Bt * NP, CH))
    e1 = (lax.broadcasted_iota(jnp.int32, (CH, 1), 0) == 1).astype(f32)
    tcol = lax.dot_general(xf, e1, (((1,), (0,)), ((), ())),
                           preferred_element_type=f32)
    ta = jnp.sum(jnp.reshape(tcol, (Bt, NP, 1)), axis=1)
    taf = jnp.reshape(
        jnp.broadcast_to(jnp.reshape(ta, (Bt, 1, 1)), (Bt, NP, 1)),
        (Bt * NP, 1))

    xb = xf.astype(bf16)

    def mm(a, bmat):
        return lax.dot_general(a, bmat, (((1,), (0,)), ((), ())),
                               preferred_element_type=f32)

    def gcn(xin, w, brow):
        h = mm(xin, w[...])
        ht = jnp.transpose(jnp.reshape(h.astype(bf16), (Bt, NP, CH)),
                           (0, 2, 1))
        u = lax.dot_general(jnp.reshape(ht, (Bt * CH, NP)), ap,
                            (((1,), (1,)), ((), ())),
                            preferred_element_type=f32)
        ut = jnp.transpose(jnp.reshape(u.astype(bf16), (Bt, CH, NP)),
                           (0, 2, 1))
        o = jnp.maximum(ut + jnp.reshape(brow[...], (1, 1, CH)).astype(bf16),
                        0)
        return jnp.reshape(o, (Bt * NP, CH))

    o1 = gcn(xb, w1, b1)
    o2 = gcn(o1, w2, b2)
    o3 = gcn(o2, w3, b3)
    o4 = gcn(o3, w3, b3)
    o5 = gcn(o4, w3, b3)

    lw1v = lw1[...]

    cat = jnp.concatenate([o1, o2, o3, o4, o5, xb], axis=1)
    acc = mm(cat, lw1v[0:768])
    acc = acc + (taf * lw1v[768:769].astype(f32) + lb1[...])
    h1 = jnp.where(acc > 0, acc, 0.01 * acc)
    acc2 = mm(h1.astype(bf16), lw2[...]) + lb2[...]
    h2 = jnp.where(acc2 > 0, acc2, 0.01 * acc2)

    z3 = jnp.reshape(h2, (Bt, NP, HID)) * jnp.reshape(lw3r[...], (1, 1, HID))
    pre = jnp.sum(z3, axis=2) + lb3[0, 0]
    conc = jnp.maximum(pre, 0.0) + jnp.log(1.0 + jnp.exp(-jnp.abs(pre)))
    conc = conc[:, 0:N_NODES]
    ssum = jnp.sum(conc, axis=1, keepdims=True)
    act_ref[...] = conc / (ssum + 1e-20)
    reg_ref[...] = jnp.reshape(jnp.sum(jnp.abs(conc)), (1, 1, 1))


def kernel(state, edge_index, W1, b1, W2, b2, W3, b3, W4, b4, W5, b5,
           lw1, lb1, lw2, lb2, lw3, lb3, deterministic=1):
    B = state.shape[0]
    Bt = 128
    grid = (B // Bt,)
    f32 = jnp.float32

    ap = _build_adjacency_sc(edge_index)
    pos = jnp.asarray(_positions_np())[None]

    full = lambda s: pl.BlockSpec(s, lambda i: tuple(0 for _ in s))
    out_shape = [
        jax.ShapeDtypeStruct((B, N_NODES), f32),
        jax.ShapeDtypeStruct((grid[0], 1, 1), f32),
    ]
    action, regp = pl.pallas_call(
        functools.partial(_tc_body, Bt),
        grid=grid,
        in_specs=[
            pl.BlockSpec((Bt, N_NODES, 98), lambda i: (i, 0, 0)),
            full((1, N_NODES, 30)),
            full((NP, NP)),
            full((CH, CH)), full((1, CH)),
            full((CH, CH)), full((1, CH)),
            full((CH, CH)), full((1, CH)),
            full((6 * CH + 1, HID)), full((1, HID)),
            full((HID, HID)), full((1, HID)),
            full((1, HID)), full((1, 1)),
        ],
        out_specs=[
            pl.BlockSpec((Bt, N_NODES), lambda i: (i, 0)),
            pl.BlockSpec((1, 1, 1), lambda i: (i, 0, 0)),
        ],
        out_shape=out_shape,
        compiler_params=pltpu.CompilerParams(
            dimension_semantics=("arbitrary",)),
    )(state, pos, ap.astype(jnp.bfloat16),
      W1.astype(jnp.bfloat16), b1.reshape(1, CH),
      W2.astype(jnp.bfloat16), b2.reshape(1, CH),
      W3.astype(jnp.bfloat16), b3.reshape(1, CH),
      lw1.astype(jnp.bfloat16), lb1.reshape(1, HID),
      lw2.astype(jnp.bfloat16), lb2.reshape(1, HID),
      lw3.reshape(1, HID), lb3.reshape(1, 1))

    regularize = jnp.sum(regp) / (B * N_NODES)
    return action, regularize

# --- scband reference (transcript-rebuilt; emitter-appended) ---
"""Pipeline reference for scband-gnnactor-18777597018175 (READ-ONLY COPY).

The authoritative reference and input builder live on the scoring server;
editing this copy changes nothing except your own understanding.
"""

import jax, jax.numpy as jnp
import numpy as np

POS_INDICES = [120, 124, 128, 132, 136, 140, 144, 148, 152, 237, 241, 245, 249, 253, 257, 261, 265, 269, 354, 358, 362, 366, 370, 374, 378, 382, 386, 471, 475, 479, 483, 487, 491, 495, 499, 503, 588, 592, 596, 600, 604, 608, 612, 616, 620, 705, 709, 713, 717, 721, 725, 729, 733, 737, 822, 826, 830, 834, 838, 842, 846, 850, 854, 48, 53, 60, 67, 73, 157, 352, 388, 583, 586, 817, 901, 906, 913, 920, 926]

N_NODES = 79
IN_CH = 98 + 30  # 128 after positional concat
HID = 256
B = 4096
E = 1264


def get_positions():
    height, width = 25, 39
    pf = np.zeros((N_NODES, 30), dtype=np.float32)
    mults = [2, 5, 12, 30, 100, 100, 100]
    for i, p in enumerate(POS_INDICES):
        x = p % width
        y = p // width
        xn = x / (width - 1)
        yn = y / (height - 1)
        pf[i, 0] = xn
        pf[i, 1] = yn
        for k, m in enumerate(mults):
            c = 2 + 4 * k
            pf[i, c + 0] = np.sin(xn * m * np.pi) + 1
            pf[i, c + 1] = np.cos(xn * m * np.pi) + 1
            pf[i, c + 2] = np.sin(yn * m * np.pi) + 1
            pf[i, c + 3] = np.cos(yn * m * np.pi) + 1
    return jnp.asarray(pf)


def setup_inputs(seed: int = 0) -> dict:
    key = jax.random.key(seed)
    ks = jax.random.split(key, 16)
    inp = {}
    inp['state'] = jax.random.normal(ks[0], (B, N_NODES, 98), dtype=jnp.float32)
    inp['edge_index'] = jax.random.randint(ks[1], (2, E), 0, N_NODES, dtype=jnp.int32)
    for i in range(5):
        inp['W%d' % (i + 1)] = jax.random.normal(ks[2 + i], (IN_CH, IN_CH), dtype=jnp.float32) * 0.05
        inp['b%d' % (i + 1)] = jnp.zeros((IN_CH,), dtype=jnp.float32)
    inp['lw1'] = jax.random.normal(ks[8], (6 * IN_CH + 1, HID), dtype=jnp.float32) * 0.05
    inp['lb1'] = jnp.zeros((HID,), dtype=jnp.float32)
    inp['lw2'] = jax.random.normal(ks[9], (HID, HID), dtype=jnp.float32) * 0.05
    inp['lb2'] = jnp.zeros((HID,), dtype=jnp.float32)
    inp['lw3'] = jax.random.normal(ks[10], (HID, 1), dtype=jnp.float32) * 0.05
    inp['lb3'] = jnp.zeros((1,), dtype=jnp.float32)
    inp['deterministic'] = 1
    return inp


def _gcn_conv(x, W, b, src, dst, norm):
    # GCNConv: x' = D^-1/2 (A+I) D^-1/2 (x @ W) + b, batched over leading dim
    h = x @ W
    msgs = h[:, src, :] * norm[None, :, None]
    out = jnp.zeros_like(h).at[:, dst, :].add(msgs)
    return out + b


def reference(state, edge_index, W1, b1, W2, b2, W3, b3, W4, b4, W5, b5, lw1, lb1, lw2, lb2, lw3, lb3, deterministic=1):
    pos = get_positions()
    Bsz = state.shape[0]
    state = jnp.concatenate([state, jnp.broadcast_to(pos[None], (Bsz, N_NODES, 30))], axis=-1)
    # add self loops + symmetric normalization (PyG GCNConv defaults)
    loop = jnp.arange(N_NODES, dtype=edge_index.dtype)
    src = jnp.concatenate([edge_index[0], loop])
    dst = jnp.concatenate([edge_index[1], loop])
    deg = jnp.zeros((N_NODES,), dtype=jnp.float32).at[dst].add(1.0)
    dis = jnp.where(deg > 0, 1.0 / jnp.sqrt(deg), 0.0)
    norm = dis[src] * dis[dst]
    out1 = jax.nn.relu(_gcn_conv(state, W1, b1, src, dst, norm))
    out2 = jax.nn.relu(_gcn_conv(out1, W2, b2, src, dst, norm))
    out3 = jax.nn.relu(_gcn_conv(out2, W3, b3, src, dst, norm))
    # original code reuses conv3 for layers 4 and 5
    out4 = jax.nn.relu(_gcn_conv(out3, W3, b3, src, dst, norm))
    out5 = jax.nn.relu(_gcn_conv(out4, W3, b3, src, dst, norm))
    total_agents = jnp.broadcast_to(state[..., 1].sum(axis=-1, keepdims=True)[:, :, None], (Bsz, N_NODES, 1))
    state2 = jnp.concatenate([state, total_agents], axis=-1)
    x = jnp.concatenate([out1, out2, out3, out4, out5, state2], axis=-1)
    x = jax.nn.leaky_relu(x @ lw1 + lb1, negative_slope=0.01)
    x = jax.nn.leaky_relu(x @ lw2 + lb2, negative_slope=0.01)
    x = jax.nn.softplus(x @ lw3 + lb3)
    concentration = jnp.squeeze(x, -1)
    # deterministic path
    action = concentration / (concentration.sum(axis=-1, keepdims=True) + 1e-20)
    regularize = jnp.abs(concentration).mean()
    return (action, regularize)

if __name__ == "__main__":
    import jax
    _d = setup_inputs()
    print(jax.jit(kernel)(*tuple(_d.values())))

</pallas_src>

<mosaic_0001>
#map = affine_map<(d0, d1) -> (0, 0)>
#map1 = affine_map<(d0, d1) -> (0)>
module attributes {stable_mosaic.version = 14 : i64} {
  func.func @build(%arg0: i32, %arg1: i32, %arg2: memref<2x1264xi32, #tpu.memory_space<hbm>>, %arg3: memref<1280xf32, #tpu.memory_space<hbm>>, %arg4: memref<6400xf32, #tpu.memory_space<hbm>>, %arg5: memref<2x1264xi32, #tpu.memory_space<vmem>>, %arg6: memref<1280xf32, #tpu.memory_space<vmem>>, %arg7: memref<1280xf32, #tpu.memory_space<vmem>>, %arg8: memref<80xf32, #tpu.memory_space<vmem>>, %arg9: memref<102400xf32, #tpu.memory_space<vmem>>, %arg10: memref<6400xf32, #tpu.memory_space<vmem>>) attributes {dimension_semantics = [#tpu.dimension_semantics<core_parallel>, #tpu.dimension_semantics<subcore_parallel>], iteration_bounds = array<i64: 2, 16>, scalar_prefetch = 0 : i64, scratch_operands = 6 : i64, tpu.core_type = #tpu.core_type<sc_vector_subcore>, window_params = [{transform_indices = #map}, {transform_indices = #map1}, {transform_indices = #map1}]} {
    %mul3A = arith.constant 2 : i32
    %mul3A_0 = arith.muli %arg1, %mul3A : i32
    %add3A = arith.addi %mul3A_0, %arg0 : i32
    %eq3A = arith.constant 0 : i32
    %eq3A_1 = arith.cmpi eq, %add3A, %eq3A : i32
    %convert_element_type3A = arith.extui %eq3A_1 : i1 to i32
    %cond3A = arith.constant 0 : i32
    %cond3A_2 = arith.cmpi ne, %convert_element_type3A, %cond3A : i32
    scf.if %cond3A_2 {
      "tpu.region"() ({
        %run_scoped3A = tpu.sem_alloc : memref<!tpu.dma_semaphore, #tpu.memory_space<semaphore_mem>>
        tpu.enqueue_dma source(%arg2 : memref<2x1264xi32, #tpu.memory_space<hbm>>) target(%arg5 : memref<2x1264xi32, #tpu.memory_space<vmem>>) target_semaphore(%run_scoped3A : memref<!tpu.dma_semaphore, #tpu.memory_space<semaphore_mem>>)
        tpu.wait_dma2 semaphore(%run_scoped3A : memref<!tpu.dma_semaphore, #tpu.memory_space<semaphore_mem>>) src(%arg2 : memref<2x1264xi32, #tpu.memory_space<hbm>>) dst(%arg5 : memref<2x1264xi32, #tpu.memory_space<vmem>>)
        tpu.yield
      }) : () -> ()
      "tpu.region"() ({
        %run_scoped3A = tpu.sem_alloc : memref<!tpu.dma_semaphore, #tpu.memory_space<semaphore_mem>>
        tpu.enqueue_dma source(%arg3 : memref<1280xf32, #tpu.memory_space<hbm>>) target(%arg6 : memref<1280xf32, #tpu.memory_space<vmem>>) target_semaphore(%run_scoped3A : memref<!tpu.dma_semaphore, #tpu.memory_space<semaphore_mem>>)
        tpu.wait_dma2 semaphore(%run_scoped3A : memref<!tpu.dma_semaphore, #tpu.memory_space<semaphore_mem>>) src(%arg3 : memref<1280xf32, #tpu.memory_space<hbm>>) dst(%arg6 : memref<1280xf32, #tpu.memory_space<vmem>>)
        tpu.yield
      }) : () -> ()
      %iota3A = tpu.iota {dimensions = array<i32: 0>} : vector<16xi32>
      %broadcast_in_dim3A = arith.constant 0.000000e+00 : f32
      %broadcast_in_dim3A_3 = vector.broadcast %broadcast_in_dim3A : f32 to vector<16xf32>
      %broadcast_in_dim3A_4 = arith.constant 1.000000e+00 : f32
      %broadcast_in_dim3A_5 = vector.broadcast %broadcast_in_dim3A_4 : f32 to vector<16xf32>
      %swap3A = arith.constant 0 : index
      %swap3A_6 = tpu.vector_load %arg7[%swap3A] {strides = array<i32>} : memref<1280xf32, #tpu.memory_space<vmem>>, vector<16xf32>,
      tpu.vector_store %arg7[%swap3A], %broadcast_in_dim3A_3 {strides = array<i32>} : memref<1280xf32, #tpu.memory_space<vmem>>, vector<16xf32>,
      %swap3A_7 = arith.constant 16 : index
      %swap3A_8 = tpu.vector_load %arg7[%swap3A_7] {strides = array<i32>} : memref<1280xf32, #tpu.memory_space<vmem>>, vector<16xf32>,
      tpu.vector_store %arg7[%swap3A_7], %broadcast_in_dim3A_3 {strides = array<i32>} : memref<1280xf32, #tpu.memory_space<vmem>>, vector<16xf32>,
      %swap3A_9 = arith.constant 32 : index
      %swap3A_10 = tpu.vector_load %arg7[%swap3A_9] {strides = array<i32>} : memref<1280xf32, #tpu.memory_space<vmem>>, vector<16xf32>,
      tpu.vector_store %arg7[%swap3A_9], %broadcast_in_dim3A_3 {strides = array<i32>} : memref<1280xf32, #tpu.memory_space<vmem>>, vector<16xf32>,
      %swap3A_11 = arith.constant 48 : index
      %swap3A_12 = tpu.vector_load %arg7[%swap3A_11] {strides = array<i32>} : memref<1280xf32, #tpu.memory_space<vmem>>, vector<16xf32>,
      tpu.vector_store %arg7[%swap3A_11], %broadcast_in_dim3A_3 {strides = array<i32>} : memref<1280xf32, #tpu.memory_space<vmem>>, vector<16xf32>,
      %swap3A_13 = arith.constant 64 : index
      %swap3A_14 = tpu.vector_load %arg7[%swap3A_13] {strides = array<i32>} : memref<1280xf32, #tpu.memory_space<vmem>>, vector<16xf32>,
      tpu.vector_store %arg7[%swap3A_13], %broadcast_in_dim3A_3 {strides = array<i32>} : memref<1280xf32, #tpu.memory_space<vmem>>, vector<16xf32>,
      %swap3A_15 = arith.constant 80 : index
      %swap3A_16 = tpu.vector_load %arg7[%swap3A_15] {strides = array<i32>} : memref<1280xf32, #tpu.memory_space<vmem>>, vector<16xf32>,
      tpu.vector_store %arg7[%swap3A_15], %broadcast_in_dim3A_3 {strides = array<i32>} : memref<1280xf32, #tpu.memory_space<vmem>>, vector<16xf32>,
      %swap3A_17 = arith.constant 96 : index
      %swap3A_18 = tpu.vector_load %arg7[%swap3A_17] {strides = array<i32>} : memref<1280xf32, #tpu.memory_space<vmem>>, vector<16xf32>,
      tpu.vector_store %arg7[%swap3A_17], %broadcast_in_dim3A_3 {strides = array<i32>} : memref<1280xf32, #tpu.memory_space<vmem>>, vector<16xf32>,
      %swap3A_19 = arith.constant 112 : index
      %swap3A_20 = tpu.vector_load %arg7[%swap3A_19] {strides = array<i32>} : memref<1280xf32, #tpu.memory_space<vmem>>, vector<16xf32>,
      tpu.vector_store %arg7[%swap3A_19], %broadcast_in_dim3A_3 {strides = array<i32>} : memref<1280xf32, #tpu.memory_space<vmem>>, vector<16xf32>,
      %swap3A_21 = arith.constant 128 : index
      %swap3A_22 = tpu.vector_load %arg7[%swap3A_21] {strides = array<i32>} : memref<1280xf32, #tpu.memory_space<vmem>>, vector<16xf32>,
      tpu.vector_store %arg7[%swap3A_21], %broadcast_in_dim3A_3 {strides = array<i32>} : memref<1280xf32, #tpu.memory_space<vmem>>, vector<16xf32>,
      %swap3A_23 = arith.constant 144 : index
      %swap3A_24 = tpu.vector_load %arg7[%swap3A_23] {strides = array<i32>} : memref<1280xf32, #tpu.memory_space<vmem>>, vector<16xf32>,
      tpu.vector_store %arg7[%swap3A_23], %broadcast_in_dim3A_3 {strides = array<i32>} : memref<1280xf32, #tpu.memory_space<vmem>>, vector<16xf32>,
      %swap3A_25 = arith.constant 160 : index
      %swap3A_26 = tpu.vector_load %arg7[%swap3A_25] {strides = array<i32>} : memref<1280xf32, #tpu.memory_space<vmem>>, vector<16xf32>,
      tpu.vector_store %arg7[%swap3A_25], %broadcast_in_dim3A_3 {strides = array<i32>} : memref<1280xf32, #tpu.memory_space<vmem>>, vector<16xf32>,
      %swap3A_27 = arith.constant 176 : index
      %swap3A_28 = tpu.vector_load %arg7[%swap3A_27] {strides = array<i32>} : memref<1280xf32, #tpu.memory_space<vmem>>, vector<16xf32>,
      tpu.vector_store %arg7[%swap3A_27], %broadcast_in_dim3A_3 {strides = array<i32>} : memref<1280xf32, #tpu.memory_space<vmem>>, vector<16xf32>,
      %swap3A_29 = arith.constant 192 : index
      %swap3A_30 = tpu.vector_load %arg7[%swap3A_29] {strides = array<i32>} : memref<1280xf32, #tpu.memory_space<vmem>>, vector<16xf32>,
      tpu.vector_store %arg7[%swap3A_29], %broadcast_in_dim3A_3 {strides = array<i32>} : memref<1280xf32, #tpu.memory_space<vmem>>, vector<16xf32>,
      %swap3A_31 = arith.constant 208 : index
      %swap3A_32 = tpu.vector_load %arg7[%swap3A_31] {strides = array<i32>} : memref<1280xf32, #tpu.memory_space<vmem>>, vector<16xf32>,
      tpu.vector_store %arg7[%swap3A_31], %broadcast_in_dim3A_3 {strides = array<i32>} : memref<1280xf32, #tpu.memory_space<vmem>>, vector<16xf32>,
      %swap3A_33 = arith.constant 224 : index
      %swap3A_34 = tpu.vector_load %arg7[%swap3A_33] {strides = array<i32>} : memref<1280xf32, #tpu.memory_space<vmem>>, vector<16xf32>,
      tpu.vector_store %arg7[%swap3A_33], %broadcast_in_dim3A_3 {strides = array<i32>} : memref<1280xf32, #tpu.memory_space<vmem>>, vector<16xf32>,
      %swap3A_35 = arith.constant 240 : index
      %swap3A_36 = tpu.vector_load %arg7[%swap3A_35] {strides = array<i32>} : memref<1280xf32, #tpu.memory_space<vmem>>, vector<16xf32>,
      tpu.vector_store %arg7[%swap3A_35], %broadcast_in_dim3A_3 {strides = array<i32>} : memref<1280xf32, #tpu.memory_space<vmem>>, vector<16xf32>,
      %swap3A_37 = arith.constant 256 : index
      %swap3A_38 = tpu.vector_load %arg7[%swap3A_37] {strides = array<i32>} : memref<1280xf32, #tpu.memory_space<vmem>>, vector<16xf32>,
      tpu.vector_store %arg7[%swap3A_37], %broadcast_in_dim3A_3 {strides = array<i32>} : memref<1280xf32, #tpu.memory_space<vmem>>, vector<16xf32>,
      %swap3A_39 = arith.constant 272 : index
      %swap3A_40 = tpu.vector_load %arg7[%swap3A_39] {strides = array<i32>} : memref<1280xf32, #tpu.memory_space<vmem>>, vector<16xf32>,
      tpu.vector_store %arg7[%swap3A_39], %broadcast_in_dim3A_3 {strides = array<i32>} : memref<1280xf32, #tpu.memory_space<vmem>>, vector<16xf32>,
      %swap3A_41 = arith.constant 288 : index
      %swap3A_42 = tpu.vector_load %arg7[%swap3A_41] {strides = array<i32>} : memref<1280xf32, #tpu.memory_space<vmem>>, vector<16xf32>,
      tpu.vector_store %arg7[%swap3A_41], %broadcast_in_dim3A_3 {strides = array<i32>} : memref<1280xf32, #tpu.memory_space<vmem>>, vector<16xf32>,
      %swap3A_43 = arith.constant 304 : index
      %swap3A_44 = tpu.vector_load %arg7[%swap3A_43] {strides = array<i32>} : memref<1280xf32, #tpu.memory_space<vmem>>, vector<16xf32>,
      tpu.vector_store %arg7[%swap3A_43], %broadcast_in_dim3A_3 {strides = array<i32>} : memref<1280xf32, #tpu.memory_space<vmem>>, vector<16xf32>,
      %swap3A_45 = arith.constant 320 : index
      %swap3A_46 = tpu.vector_load %arg7[%swap3A_45] {strides = array<i32>} : memref<1280xf32, #tpu.memory_space<vmem>>, vector<16xf32>,
      tpu.vector_store %arg7[%swap3A_45], %broadcast_in_dim3A_3 {strides = array<i32>} : memref<1280xf32, #tpu.memory_space<vmem>>, vector<16xf32>,
      %swap3A_47 = arith.constant 336 : index
      %swap3A_48 = tpu.vector_load %arg7[%swap3A_47] {strides = array<i32>} : memref<1280xf32, #tpu.memory_space<vmem>>, vector<16xf32>,
      tpu.vector_store %arg7[%swap3A_47], %broadcast_in_dim3A_3 {strides = array<i32>} : memref<1280xf32, #tpu.memory_space<vmem>>, vector<16xf32>,
      %swap3A_49 = arith.constant 352 : index
      %swap3A_50 = tpu.vector_load %arg7[%swap3A_49] {strides = array<i32>} : memref<1280xf32, #tpu.memory_space<vmem>>, vector<16xf32>,
      tpu.vector_store %arg7[%swap3A_49], %broadcast_in_dim3A_3 {strides = array<i32>} : memref<1280xf32, #tpu.memory_space<vmem>>, vector<16xf32>,
      %swap3A_51 = arith.constant 368 : index
      %swap3A_52 = tpu.vector_load %arg7[%swap3A_51] {strides = array<i32>} : memref<1280xf32, #tpu.memory_space<vmem>>, vector<16xf32>,
      tpu.vector_store %arg7[%swap3A_51], %broadcast_in_dim3A_3 {strides = array<i32>} : memref<1280xf32, #tpu.memory_space<vmem>>, vector<16xf32>,
      %swap3A_53 = arith.constant 384 : index
      %swap3A_54 = tpu.vector_load %arg7[%swap3A_53] {strides = array<i32>} : memref<1280xf32, #tpu.memory_space<vmem>>, vector<16xf32>,
      tpu.vector_store %arg7[%swap3A_53], %broadcast_in_dim3A_3 {strides = array<i32>} : memref<1280xf32, #tpu.memory_space<vmem>>, vector<16xf32>,
      %swap3A_55 = arith.constant 400 : index
      %swap3A_56 = tpu.vector_load %arg7[%swap3A_55] {strides = array<i32>} : memref<1280xf32, #tpu.memory_space<vmem>>, vector<16xf32>,
      tpu.vector_store %arg7[%swap3A_55], %broadcast_in_dim3A_3 {strides = array<i32>} : memref<1280xf32, #tpu.memory_space<vmem>>, vector<16xf32>,
      %swap3A_57 = arith.constant 416 : index
      %swap3A_58 = tpu.vector_load %arg7[%swap3A_57] {strides = array<i32>} : memref<1280xf32, #tpu.memory_space<vmem>>, vector<16xf32>,
      tpu.vector_store %arg7[%swap3A_57], %broadcast_in_dim3A_3 {strides = array<i32>} : memref<1280xf32, #tpu.memory_space<vmem>>, vector<16xf32>,
      %swap3A_59 = arith.constant 432 : index
      %swap3A_60 = tpu.vector_load %arg7[%swap3A_59] {strides = array<i32>} : memref<1280xf32, #tpu.memory_space<vmem>>, vector<16xf32>,
      tpu.vector_store %arg7[%swap3A_59], %broadcast_in_dim3A_3 {strides = array<i32>} : memref<1280xf32, #tpu.memory_space<vmem>>, vector<16xf32>,
      %swap3A_61 = arith.constant 448 : index
      %swap3A_62 = tpu.vector_load %arg7[%swap3A_61] {strides = array<i32>} : memref<1280xf32, #tpu.memory_space<vmem>>, vector<16xf32>,
      tpu.vector_store %arg7[%swap3A_61], %broadcast_in_dim3A_3 {strides = array<i32>} : memref<1280xf32, #tpu.memory_space<vmem>>, vector<16xf32>,
      %swap3A_63 = arith.constant 464 : index
      %swap3A_64 = tpu.vector_load %arg7[%swap3A_63] {strides = array<i32>} : memref<1280xf32, #tpu.memory_space<vmem>>, vector<16xf32>,
      tpu.vector_store %arg7[%swap3A_63], %broadcast_in_dim3A_3 {strides = array<i32>} : memref<1280xf32, #tpu.memory_space<vmem>>, vector<16xf32>,
      %swap3A_65 = arith.constant 480 : index
      %swap3A_66 = tpu.vector_load %arg7[%swap3A_65] {strides = array<i32>} : memref<1280xf32, #tpu.memory_space<vmem>>, vector<16xf32>,
      tpu.vector_store %arg7[%swap3A_65], %broadcast_in_dim3A_3 {strides = array<i32>} : memref<1280xf32, #tpu.memory_space<vmem>>, vector<16xf32>,
      %swap3A_67 = arith.constant 496 : index
      %swap3A_68 = tpu.vector_load %arg7[%swap3A_67] {strides = array<i32>} : memref<1280xf32, #tpu.memory_space<vmem>>, vector<16xf32>,
      tpu.vector_store %arg7[%swap3A_67], %broadcast_in_dim3A_3 {strides = array<i32>} : memref<1280xf32, #tpu.memory_space<vmem>>, vector<16xf32>,
      %swap3A_69 = arith.constant 512 : index
      %swap3A_70 = tpu.vector_load %arg7[%swap3A_69] {strides = array<i32>} : memref<1280xf32, #tpu.memory_space<vmem>>, vector<16xf32>,
      tpu.vector_store %arg7[%swap3A_69], %broadcast_in_dim3A_3 {strides = array<i32>} : memref<1280xf32, #tpu.memory_space<vmem>>, vector<16xf32>,
      %swap3A_71 = arith.constant 528 : index
      %swap3A_72 = tpu.vector_load %arg7[%swap3A_71] {strides = array<i32>} : memref<1280xf32, #tpu.memory_space<vmem>>, vector<16xf32>,
      tpu.vector_store %arg7[%swap3A_71], %broadcast_in_dim3A_3 {strides = array<i32>} : memref<1280xf32, #tpu.memory_space<vmem>>, vector<16xf32>,
      %swap3A_73 = arith.constant 544 : index
      %swap3A_74 = tpu.vector_load %arg7[%swap3A_73] {strides = array<i32>} : memref<1280xf32, #tpu.memory_space<vmem>>, vector<16xf32>,
      tpu.vector_store %arg7[%swap3A_73], %broadcast_in_dim3A_3 {strides = array<i32>} : memref<1280xf32, #tpu.memory_space<vmem>>, vector<16xf32>,
      %swap3A_75 = arith.constant 560 : index
      %swap3A_76 = tpu.vector_load %arg7[%swap3A_75] {strides = array<i32>} : memref<1280xf32, #tpu.memory_space<vmem>>, vector<16xf32>,
      tpu.vector_store %arg7[%swap3A_75], %broadcast_in_dim3A_3 {strides = array<i32>} : memref<1280xf32, #tpu.memory_space<vmem>>, vector<16xf32>,
      %swap3A_77 = arith.constant 576 : index
      %swap3A_78 = tpu.vector_load %arg7[%swap3A_77] {strides = array<i32>} : memref<1280xf32, #tpu.memory_space<vmem>>, vector<16xf32>,
      tpu.vector_store %arg7[%swap3A_77], %broadcast_in_dim3A_3 {strides = array<i32>} : memref<1280xf32, #tpu.memory_space<vmem>>, vector<16xf32>,
      %swap3A_79 = arith.constant 592 : index
      %swap3A_80 = tpu.vector_load %arg7[%swap3A_79] {strides = array<i32>} : memref<1280xf32, #tpu.memory_space<vmem>>, vector<16xf32>,
      tpu.vector_store %arg7[%swap3A_79], %broadcast_in_dim3A_3 {strides = array<i32>} : memref<1280xf32, #tpu.memory_space<vmem>>, vector<16xf32>,
      %swap3A_81 = arith.constant 608 : index
      %swap3A_82 = tpu.vector_load %arg7[%swap3A_81] {strides = array<i32>} : memref<1280xf32, #tpu.memory_space<vmem>>, vector<16xf32>,
      tpu.vector_store %arg7[%swap3A_81], %broadcast_in_dim3A_3 {strides = array<i32>} : memref<1280xf32, #tpu.memory_space<vmem>>, vector<16xf32>,
      %swap3A_83 = arith.constant 624 : index
      %swap3A_84 = tpu.vector_load %arg7[%swap3A_83] {strides = array<i32>} : memref<1280xf32, #tpu.memory_space<vmem>>, vector<16xf32>,
      tpu.vector_store %arg7[%swap3A_83], %broadcast_in_dim3A_3 {strides = array<i32>} : memref<1280xf32, #tpu.memory_space<vmem>>, vector<16xf32>,
      %swap3A_85 = arith.constant 640 : index
      %swap3A_86 = tpu.vector_load %arg7[%swap3A_85] {strides = array<i32>} : memref<1280xf32, #tpu.memory_space<vmem>>, vector<16xf32>,
      tpu.vector_store %arg7[%swap3A_85], %broadcast_in_dim3A_3 {strides = array<i32>} : memref<1280xf32, #tpu.memory_space<vmem>>, vector<16xf32>,
      %swap3A_87 = arith.constant 656 : index
      %swap3A_88 = tpu.vector_load %arg7[%swap3A_87] {strides = array<i32>} : memref<1280xf32, #tpu.memory_space<vmem>>, vector<16xf32>,
      tpu.vector_store %arg7[%swap3A_87], %broadcast_in_dim3A_3 {strides = array<i32>} : memref<1280xf32, #tpu.memory_space<vmem>>, vector<16xf32>,
      %swap3A_89 = arith.constant 672 : index
      %swap3A_90 = tpu.vector_load %arg7[%swap3A_89] {strides = array<i32>} : memref<1280xf32, #tpu.memory_space<vmem>>, vector<16xf32>,
      tpu.vector_store %arg7[%swap3A_89], %broadcast_in_dim3A_3 {strides = array<i32>} : memref<1280xf32, #tpu.memory_space<vmem>>, vector<16xf32>,
      %swap3A_91 = arith.constant 688 : index
      %swap3A_92 = tpu.vector_load %arg7[%swap3A_91] {strides = array<i32>} : memref<1280xf32, #tpu.memory_space<vmem>>, vector<16xf32>,
      tpu.vector_store %arg7[%swap3A_91], %broadcast_in_dim3A_3 {strides = array<i32>} : memref<1280xf32, #tpu.memory_space<vmem>>, vector<16xf32>,
      %swap3A_93 = arith.constant 704 : index
      %swap3A_94 = tpu.vector_load %arg7[%swap3A_93] {strides = array<i32>} : memref<1280xf32, #tpu.memory_space<vmem>>, vector<16xf32>,
      tpu.vector_store %arg7[%swap3A_93], %broadcast_in_dim3A_3 {strides = array<i32>} : memref<1280xf32, #tpu.memory_space<vmem>>, vector<16xf32>,
      %swap3A_95 = arith.constant 720 : index
      %swap3A_96 = tpu.vector_load %arg7[%swap3A_95] {strides = array<i32>} : memref<1280xf32, #tpu.memory_space<vmem>>, vector<16xf32>,
      tpu.vector_store %arg7[%swap3A_95], %broadcast_in_dim3A_3 {strides = array<i32>} : memref<1280xf32, #tpu.memory_space<vmem>>, vector<16xf32>,
      %swap3A_97 = arith.constant 736 : index
      %swap3A_98 = tpu.vector_load %arg7[%swap3A_97] {strides = array<i32>} : memref<1280xf32, #tpu.memory_space<vmem>>, vector<16xf32>,
      tpu.vector_store %arg7[%swap3A_97], %broadcast_in_dim3A_3 {strides = array<i32>} : memref<1280xf32, #tpu.memory_space<vmem>>, vector<16xf32>,
      %swap3A_99 = arith.constant 752 : index
      %swap3A_100 = tpu.vector_load %arg7[%swap3A_99] {strides = array<i32>} : memref<1280xf32, #tpu.memory_space<vmem>>, vector<16xf32>,
      tpu.vector_store %arg7[%swap3A_99], %broadcast_in_dim3A_3 {strides = array<i32>} : memref<1280xf32, #tpu.memory_space<vmem>>, vector<16xf32>,
      %swap3A_101 = arith.constant 768 : index
      %swap3A_102 = tpu.vector_load %arg7[%swap3A_101] {strides = array<i32>} : memref<1280xf32, #tpu.memory_space<vmem>>, vector<16xf32>,
      tpu.vector_store %arg7[%swap3A_101], %broadcast_in_dim3A_3 {strides = array<i32>} : memref<1280xf32, #tpu.memory_space<vmem>>, vector<16xf32>,
      %swap3A_103 = arith.constant 784 : index
      %swap3A_104 = tpu.vector_load %arg7[%swap3A_103] {strides = array<i32>} : memref<1280xf32, #tpu.memory_space<vmem>>, vector<16xf32>,
      tpu.vector_store %arg7[%swap3A_103], %broadcast_in_dim3A_3 {strides = array<i32>} : memref<1280xf32, #tpu.memory_space<vmem>>, vector<16xf32>,
      %swap3A_105 = arith.constant 800 : index
      %swap3A_106 = tpu.vector_load %arg7[%swap3A_105] {strides = array<i32>} : memref<1280xf32, #tpu.memory_space<vmem>>, vector<16xf32>,
      tpu.vector_store %arg7[%swap3A_105], %broadcast_in_dim3A_3 {strides = array<i32>} : memref<1280xf32, #tpu.memory_space<vmem>>, vector<16xf32>,
      %swap3A_107 = arith.constant 816 : index
      %swap3A_108 = tpu.vector_load %arg7[%swap3A_107] {strides = array<i32>} : memref<1280xf32, #tpu.memory_space<vmem>>, vector<16xf32>,
      tpu.vector_store %arg7[%swap3A_107], %broadcast_in_dim3A_3 {strides = array<i32>} : memref<1280xf32, #tpu.memory_space<vmem>>, vector<16xf32>,
      %swap3A_109 = arith.constant 832 : index
      %swap3A_110 = tpu.vector_load %arg7[%swap3A_109] {strides = array<i32>} : memref<1280xf32, #tpu.memory_space<vmem>>, vector<16xf32>,
      tpu.vector_store %arg7[%swap3A_109], %broadcast_in_dim3A_3 {strides = array<i32>} : memref<1280xf32, #tpu.memory_space<vmem>>, vector<16xf32>,
      %swap3A_111 = arith.constant 848 : index
      %swap3A_112 = tpu.vector_load %arg7[%swap3A_111] {strides = array<i32>} : memref<1280xf32, #tpu.memory_space<vmem>>, vector<16xf32>,
      tpu.vector_store %arg7[%swap3A_111], %broadcast_in_dim3A_3 {strides = array<i32>} : memref<1280xf32, #tpu.memory_space<vmem>>, vector<16xf32>,
      %swap3A_113 = arith.constant 864 : index
      %swap3A_114 = tpu.vector_load %arg7[%swap3A_113] {strides = array<i32>} : memref<1280xf32, #tpu.memory_space<vmem>>, vector<16xf32>,
      tpu.vector_store %arg7[%swap3A_113], %broadcast_in_dim3A_3 {strides = array<i32>} : memref<1280xf32, #tpu.memory_space<vmem>>, vector<16xf32>,
      %swap3A_115 = arith.constant 880 : index
      %swap3A_116 = tpu.vector_load %arg7[%swap3A_115] {strides = array<i32>} : memref<1280xf32, #tpu.memory_space<vmem>>, vector<16xf32>,
      tpu.vector_store %arg7[%swap3A_115], %broadcast_in_dim3A_3 {strides = array<i32>} : memref<1280xf32, #tpu.memory_space<vmem>>, vector<16xf32>,
      %swap3A_117 = arith.constant 896 : index
      %swap3A_118 = tpu.vector_load %arg7[%swap3A_117] {strides = array<i32>} : memref<1280xf32, #tpu.memory_space<vmem>>, vector<16xf32>,
      tpu.vector_store %arg7[%swap3A_117], %broadcast_in_dim3A_3 {strides = array<i32>} : memref<1280xf32, #tpu.memory_space<vmem>>, vector<16xf32>,
      %swap3A_119 = arith.constant 912 : index
      %swap3A_120 = tpu.vector_load %arg7[%swap3A_119] {strides = array<i32>} : memref<1280xf32, #tpu.memory_space<vmem>>, vector<16xf32>,
      tpu.vector_store %arg7[%swap3A_119], %broadcast_in_dim3A_3 {strides = array<i32>} : memref<1280xf32, #tpu.memory_space<vmem>>, vector<16xf32>,
      %swap3A_121 = arith.constant 928 : index
      %swap3A_122 = tpu.vector_load %arg7[%swap3A_121] {strides = array<i32>} : memref<1280xf32, #tpu.memory_space<vmem>>, vector<16xf32>,
      tpu.vector_store %arg7[%swap3A_121], %broadcast_in_dim3A_3 {strides = array<i32>} : memref<1280xf32, #tpu.memory_space<vmem>>, vector<16xf32>,
      %swap3A_123 = arith.constant 944 : index
      %swap3A_124 = tpu.vector_load %arg7[%swap3A_123] {strides = array<i32>} : memref<1280xf32, #tpu.memory_space<vmem>>, vector<16xf32>,
      tpu.vector_store %arg7[%swap3A_123], %broadcast_in_dim3A_3 {strides = array<i32>} : memref<1280xf32, #tpu.memory_space<vmem>>, vector<16xf32>,
      %swap3A_125 = arith.constant 960 : index
      %swap3A_126 = tpu.vector_load %arg7[%swap3A_125] {strides = array<i32>} : memref<1280xf32, #tpu.memory_space<vmem>>, vector<16xf32>,
      tpu.vector_store %arg7[%swap3A_125], %broadcast_in_dim3A_3 {strides = array<i32>} : memref<1280xf32, #tpu.memory_space<vmem>>, vector<16xf32>,
      %swap3A_127 = arith.constant 976 : index
      %swap3A_128 = tpu.vector_load %arg7[%swap3A_127] {strides = array<i32>} : memref<1280xf32, #tpu.memory_space<vmem>>, vector<16xf32>,
      tpu.vector_store %arg7[%swap3A_127], %broadcast_in_dim3A_3 {strides = array<i32>} : memref<1280xf32, #tpu.memory_space<vmem>>, vector<16xf32>,
      %swap3A_129 = arith.constant 992 : index
      %swap3A_130 = tpu.vector_load %arg7[%swap3A_129] {strides = array<i32>} : memref<1280xf32, #tpu.memory_space<vmem>>, vector<16xf32>,
      tpu.vector_store %arg7[%swap3A_129], %broadcast_in_dim3A_3 {strides = array<i32>} : memref<1280xf32, #tpu.memory_space<vmem>>, vector<16xf32>,
      %swap3A_131 = arith.constant 1008 : index
      %swap3A_132 = tpu.vector_load %arg7[%swap3A_131] {strides = array<i32>} : memref<1280xf32, #tpu.memory_space<vmem>>, vector<16xf32>,
      tpu.vector_store %arg7[%swap3A_131], %broadcast_in_dim3A_3 {strides = array<i32>} : memref<1280xf32, #tpu.memory_space<vmem>>, vector<16xf32>,
      %swap3A_133 = arith.constant 1024 : index
      %swap3A_134 = tpu.vector_load %arg7[%swap3A_133] {strides = array<i32>} : memref<1280xf32, #tpu.memory_space<vmem>>, vector<16xf32>,
      tpu.vector_store %arg7[%swap3A_133], %broadcast_in_dim3A_3 {strides = array<i32>} : memref<1280xf32, #tpu.memory_space<vmem>>, vector<16xf32>,
      %swap3A_135 = arith.constant 1040 : index
      %swap3A_136 = tpu.vector_load %arg7[%swap3A_135] {strides = array<i32>} : memref<1280xf32, #tpu.memory_space<vmem>>, vector<16xf32>,
      tpu.vector_store %arg7[%swap3A_135], %broadcast_in_dim3A_3 {strides = array<i32>} : memref<1280xf32, #tpu.memory_space<vmem>>, vector<16xf32>,
      %swap3A_137 = arith.constant 1056 : index
      %swap3A_138 = tpu.vector_load %arg7[%swap3A_137] {strides = array<i32>} : memref<1280xf32, #tpu.memory_space<vmem>>, vector<16xf32>,
      tpu.vector_store %arg7[%swap3A_137], %broadcast_in_dim3A_3 {strides = array<i32>} : memref<1280xf32, #tpu.memory_space<vmem>>, vector<16xf32>,
      %swap3A_139 = arith.constant 1072 : index
      %swap3A_140 = tpu.vector_load %arg7[%swap3A_139] {strides = array<i32>} : memref<1280xf32, #tpu.memory_space<vmem>>, vector<16xf32>,
      tpu.vector_store %arg7[%swap3A_139], %broadcast_in_dim3A_3 {strides = array<i32>} : memref<1280xf32, #tpu.memory_space<vmem>>, vector<16xf32>,
      %swap3A_141 = arith.constant 1088 : index
      %swap3A_142 = tpu.vector_load %arg7[%swap3A_141] {strides = array<i32>} : memref<1280xf32, #tpu.memory_space<vmem>>, vector<16xf32>,
      tpu.vector_store %arg7[%swap3A_141], %broadcast_in_dim3A_3 {strides = array<i32>} : memref<1280xf32, #tpu.memory_space<vmem>>, vector<16xf32>,
      %swap3A_143 = arith.constant 1104 : index
      %swap3A_144 = tpu.vector_load %arg7[%swap3A_143] {strides = array<i32>} : memref<1280xf32, #tpu.memory_space<vmem>>, vector<16xf32>,
      tpu.vector_store %arg7[%swap3A_143], %broadcast_in_dim3A_3 {strides = array<i32>} : memref<1280xf32, #tpu.memory_space<vmem>>, vector<16xf32>,
      %swap3A_145 = arith.constant 1120 : index
      %swap3A_146 = tpu.vector_load %arg7[%swap3A_145] {strides = array<i32>} : memref<1280xf32, #tpu.memory_space<vmem>>, vector<16xf32>,
      tpu.vector_store %arg7[%swap3A_145], %broadcast_in_dim3A_3 {strides = array<i32>} : memref<1280xf32, #tpu.memory_space<vmem>>, vector<16xf32>,
      %swap3A_147 = arith.constant 1136 : index
      %swap3A_148 = tpu.vector_load %arg7[%swap3A_147] {strides = array<i32>} : memref<1280xf32, #tpu.memory_space<vmem>>, vector<16xf32>,
      tpu.vector_store %arg7[%swap3A_147], %broadcast_in_dim3A_3 {strides = array<i32>} : memref<1280xf32, #tpu.memory_space<vmem>>, vector<16xf32>,
      %swap3A_149 = arith.constant 1152 : index
      %swap3A_150 = tpu.vector_load %arg7[%swap3A_149] {strides = array<i32>} : memref<1280xf32, #tpu.memory_space<vmem>>, vector<16xf32>,
      tpu.vector_store %arg7[%swap3A_149], %broadcast_in_dim3A_3 {strides = array<i32>} : memref<1280xf32, #tpu.memory_space<vmem>>, vector<16xf32>,
      %swap3A_151 = arith.constant 1168 : index
      %swap3A_152 = tpu.vector_load %arg7[%swap3A_151] {strides = array<i32>} : memref<1280xf32, #tpu.memory_space<vmem>>, vector<16xf32>,
      tpu.vector_store %arg7[%swap3A_151], %broadcast_in_dim3A_3 {strides = array<i32>} : memref<1280xf32, #tpu.memory_space<vmem>>, vector<16xf32>,
      %swap3A_153 = arith.constant 1184 : index
      %swap3A_154 = tpu.vector_load %arg7[%swap3A_153] {strides = array<i32>} : memref<1280xf32, #tpu.memory_space<vmem>>, vector<16xf32>,
      tpu.vector_store %arg7[%swap3A_153], %broadcast_in_dim3A_3 {strides = array<i32>} : memref<1280xf32, #tpu.memory_space<vmem>>, vector<16xf32>,
      %swap3A_155 = arith.constant 1200 : index
      %swap3A_156 = tpu.vector_load %arg7[%swap3A_155] {strides = array<i32>} : memref<1280xf32, #tpu.memory_space<vmem>>, vector<16xf32>,
      tpu.vector_store %arg7[%swap3A_155], %broadcast_in_dim3A_3 {strides = array<i32>} : memref<1280xf32, #tpu.memory_space<vmem>>, vector<16xf32>,
      %swap3A_157 = arith.constant 1216 : index
      %swap3A_158 = tpu.vector_load %arg7[%swap3A_157] {strides = array<i32>} : memref<1280xf32, #tpu.memory_space<vmem>>, vector<16xf32>,
      tpu.vector_store %arg7[%swap3A_157], %broadcast_in_dim3A_3 {strides = array<i32>} : memref<1280xf32, #tpu.memory_space<vmem>>, vector<16xf32>,
      %swap3A_159 = arith.constant 1232 : index
      %swap3A_160 = tpu.vector_load %arg7[%swap3A_159] {strides = array<i32>} : memref<1280xf32, #tpu.memory_space<vmem>>, vector<16xf32>,
      tpu.vector_store %arg7[%swap3A_159], %broadcast_in_dim3A_3 {strides = array<i32>} : memref<1280xf32, #tpu.memory_space<vmem>>, vector<16xf32>,
      %swap3A_161 = arith.constant 1248 : index
      %swap3A_162 = tpu.vector_load %arg7[%swap3A_161] {strides = array<i32>} : memref<1280xf32, #tpu.memory_space<vmem>>, vector<16xf32>,
      tpu.vector_store %arg7[%swap3A_161], %broadcast_in_dim3A_3 {strides = array<i32>} : memref<1280xf32, #tpu.memory_space<vmem>>, vector<16xf32>,
      %swap3A_163 = arith.constant 1264 : index
      %swap3A_164 = tpu.vector_load %arg7[%swap3A_163] {strides = array<i32>} : memref<1280xf32, #tpu.memory_space<vmem>>, vector<16xf32>,
      tpu.vector_store %arg7[%swap3A_163], %broadcast_in_dim3A_3 {strides = array<i32>} : memref<1280xf32, #tpu.memory_space<vmem>>, vector<16xf32>,
      %scan3A = arith.constant 0 : i32
      %scan3A_165 = arith.constant 0 : i32
      %scan3A_166 = arith.constant 79 : i32
      %scan3A_167 = arith.addi %scan3A_165, %scan3A_166 : i32
      %scan3A_168 = arith.constant 1 : i32
      %scan3A_169 = scf.for %scan3A_519 = %scan3A_165 to %scan3A_167 step %scan3A_168 iter_args(%scan3A_520 = %scan3A) -> (i32)  : i32 {
        %mul3A_521 = arith.constant 16 : i32
        %mul3A_522 = arith.muli %scan3A_519, %mul3A_521 : i32
        %get3A_523 = arith.constant 1 : i32
        %get3A_524 = arith.index_cast %get3A_523 : i32 to index
        %get3A_525 = arith.index_cast %mul3A_522 : i32 to index
        %get3A_526 = tpu.vector_load %arg5[%get3A_524, %get3A_525] {strides = array<i32>} : memref<2x1264xi32, #tpu.memory_space<vmem>>, vector<16xi32>,
        %mul3A_527 = arith.constant 80 : i32
        %mul3A_528 = vector.broadcast %mul3A_527 : i32 to vector<16xi32>
        %mul3A_529 = arith.muli %iota3A, %mul3A_528 : vector<16xi32>
        %add3A_530 = arith.addi %mul3A_529, %get3A_526 : vector<16xi32>
        %gather3A_531 = tpu.vector_load_idx %arg7[%add3A_530] : memref<1280xf32, #tpu.memory_space<vmem>>[vector<16xi32>], vector<16xf32>,
        %add3A_532 = arith.addf %gather3A_531, %broadcast_in_dim3A_5 : vector<16xf32>
        tpu.vector_store_idx %arg7[%add3A_530], %add3A_532 : memref<1280xf32, #tpu.memory_space<vmem>>[vector<16xi32>], vector<16xf32>,
        %scan3A_533 = arith.constant 0 : i32
        scf.yield %scan3A_533 : i32
      }
      %scan3A_170 = arith.constant 79 : i32
      %get3A = arith.constant 0 : index
      %get3A_171 = tpu.vector_load %arg7[%get3A] {strides = array<i32>} : memref<1280xf32, #tpu.memory_space<vmem>>, vector<16xf32>,
      %add3A_172 = arith.addf %broadcast_in_dim3A_5, %get3A_171 : vector<16xf32>
      %get3A_173 = arith.constant 80 : index
      %get3A_174 = tpu.vector_load %arg7[%get3A_173] {strides = array<i32>} : memref<1280xf32, #tpu.memory_space<vmem>>, vector<16xf32>,
      %add3A_175 = arith.addf %add3A_172, %get3A_174 : vector<16xf32>
      %get3A_176 = arith.constant 160 : index
      %get3A_177 = tpu.vector_load %arg7[%get3A_176] {strides = array<i32>} : memref<1280xf32, #tpu.memory_space<vmem>>, vector<16xf32>,
      %add3A_178 = arith.addf %add3A_175, %get3A_177 : vector<16xf32>
      %get3A_179 = arith.constant 240 : index
      %get3A_180 = tpu.vector_load %arg7[%get3A_179] {strides = array<i32>} : memref<1280xf32, #tpu.memory_space<vmem>>, vector<16xf32>,
      %add3A_181 = arith.addf %add3A_178, %get3A_180 : vector<16xf32>
      %get3A_182 = arith.constant 320 : index
      %get3A_183 = tpu.vector_load %arg7[%get3A_182] {strides = array<i32>} : memref<1280xf32, #tpu.memory_space<vmem>>, vector<16xf32>,
      %add3A_184 = arith.addf %add3A_181, %get3A_183 : vector<16xf32>
      %get3A_185 = arith.constant 400 : index
      %get3A_186 = tpu.vector_load %arg7[%get3A_185] {strides = array<i32>} : memref<1280xf32, #tpu.memory_space<vmem>>, vector<16xf32>,
      %add3A_187 = arith.addf %add3A_184, %get3A_186 : vector<16xf32>
      %get3A_188 = arith.constant 480 : index
      %get3A_189 = tpu.vector_load %arg7[%get3A_188] {strides = array<i32>} : memref<1280xf32, #tpu.memory_space<vmem>>, vector<16xf32>,
      %add3A_190 = arith.addf %add3A_187, %get3A_189 : vector<16xf32>
      %get3A_191 = arith.constant 560 : index
      %get3A_192 = tpu.vector_load %arg7[%get3A_191] {strides = array<i32>} : memref<1280xf32, #tpu.memory_space<vmem>>, vector<16xf32>,
      %add3A_193 = arith.addf %add3A_190, %get3A_192 : vector<16xf32>
      %get3A_194 = arith.constant 640 : index
      %get3A_195 = tpu.vector_load %arg7[%get3A_194] {strides = array<i32>} : memref<1280xf32, #tpu.memory_space<vmem>>, vector<16xf32>,
      %add3A_196 = arith.addf %add3A_193, %get3A_195 : vector<16xf32>
      %get3A_197 = arith.constant 720 : index
      %get3A_198 = tpu.vector_load %arg7[%get3A_197] {strides = array<i32>} : memref<1280xf32, #tpu.memory_space<vmem>>, vector<16xf32>,
      %add3A_199 = arith.addf %add3A_196, %get3A_198 : vector<16xf32>
      %get3A_200 = arith.constant 800 : index
      %get3A_201 = tpu.vector_load %arg7[%get3A_200] {strides = array<i32>} : memref<1280xf32, #tpu.memory_space<vmem>>, vector<16xf32>,
      %add3A_202 = arith.addf %add3A_199, %get3A_201 : vector<16xf32>
      %get3A_203 = arith.constant 880 : index
      %get3A_204 = tpu.vector_load %arg7[%get3A_203] {strides = array<i32>} : memref<1280xf32, #tpu.memory_space<vmem>>, vector<16xf32>,
      %add3A_205 = arith.addf %add3A_202, %get3A_204 : vector<16xf32>
      %get3A_206 = arith.constant 960 : index
      %get3A_207 = tpu.vector_load %arg7[%get3A_206] {strides = array<i32>} : memref<1280xf32, #tpu.memory_space<vmem>>, vector<16xf32>,
      %add3A_208 = arith.addf %add3A_205, %get3A_207 : vector<16xf32>
      %get3A_209 = arith.constant 1040 : index
      %get3A_210 = tpu.vector_load %arg7[%get3A_209] {strides = array<i32>} : memref<1280xf32, #tpu.memory_space<vmem>>, vector<16xf32>,
      %add3A_211 = arith.addf %add3A_208, %get3A_210 : vector<16xf32>
      %get3A_212 = arith.constant 1120 : index
      %get3A_213 = tpu.vector_load %arg7[%get3A_212] {strides = array<i32>} : memref<1280xf32, #tpu.memory_space<vmem>>, vector<16xf32>,
      %add3A_214 = arith.addf %add3A_211, %get3A_213 : vector<16xf32>
      %get3A_215 = arith.constant 1200 : index
      %get3A_216 = tpu.vector_load %arg7[%get3A_215] {strides = array<i32>} : memref<1280xf32, #tpu.memory_space<vmem>>, vector<16xf32>,
      %add3A_217 = arith.addf %add3A_214, %get3A_216 : vector<16xf32>
      %convert_element_type3A_218 = arith.fptosi %add3A_217 : vector<16xf32> to vector<16xi32>
      %gather3A = tpu.vector_load_idx %arg6[%convert_element_type3A_218] : memref<1280xf32, #tpu.memory_space<vmem>>[vector<16xi32>], vector<16xf32>,
      %swap3A_219 = arith.constant 0 : index
      %swap3A_220 = tpu.vector_load %arg8[%swap3A_219] {strides = array<i32>} : memref<80xf32, #tpu.memory_space<vmem>>, vector<16xf32>,
      tpu.vector_store %arg8[%swap3A_219], %gather3A {strides = array<i32>} : memref<80xf32, #tpu.memory_space<vmem>>, vector<16xf32>,
      %get3A_221 = arith.constant 16 : index
      %get3A_222 = tpu.vector_load %arg7[%get3A_221] {strides = array<i32>} : memref<1280xf32, #tpu.memory_space<vmem>>, vector<16xf32>,
      %add3A_223 = arith.addf %broadcast_in_dim3A_5, %get3A_222 : vector<16xf32>
      %get3A_224 = arith.constant 96 : index
      %get3A_225 = tpu.vector_load %arg7[%get3A_224] {strides = array<i32>} : memref<1280xf32, #tpu.memory_space<vmem>>, vector<16xf32>,
      %add3A_226 = arith.addf %add3A_223, %get3A_225 : vector<16xf32>
      %get3A_227 = arith.constant 176 : index
      %get3A_228 = tpu.vector_load %arg7[%get3A_227] {strides = array<i32>} : memref<1280xf32, #tpu.memory_space<vmem>>, vector<16xf32>,
      %add3A_229 = arith.addf %add3A_226, %get3A_228 : vector<16xf32>
      %get3A_230 = arith.constant 256 : index
      %get3A_231 = tpu.vector_load %arg7[%get3A_230] {strides = array<i32>} : memref<1280xf32, #tpu.memory_space<vmem>>, vector<16xf32>,
      %add3A_232 = arith.addf %add3A_229, %get3A_231 : vector<16xf32>
      %get3A_233 = arith.constant 336 : index
      %get3A_234 = tpu.vector_load %arg7[%get3A_233] {strides = array<i32>} : memref<1280xf32, #tpu.memory_space<vmem>>, vector<16xf32>,
      %add3A_235 = arith.addf %add3A_232, %get3A_234 : vector<16xf32>
      %get3A_236 = arith.constant 416 : index
      %get3A_237 = tpu.vector_load %arg7[%get3A_236] {strides = array<i32>} : memref<1280xf32, #tpu.memory_space<vmem>>, vector<16xf32>,
      %add3A_238 = arith.addf %add3A_235, %get3A_237 : vector<16xf32>
      %get3A_239 = arith.constant 496 : index
      %get3A_240 = tpu.vector_load %arg7[%get3A_239] {strides = array<i32>} : memref<1280xf32, #tpu.memory_space<vmem>>, vector<16xf32>,
      %add3A_241 = arith.addf %add3A_238, %get3A_240 : vector<16xf32>
      %get3A_242 = arith.constant 576 : index
      %get3A_243 = tpu.vector_load %arg7[%get3A_242] {strides = array<i32>} : memref<1280xf32, #tpu.memory_space<vmem>>, vector<16xf32>,
      %add3A_244 = arith.addf %add3A_241, %get3A_243 : vector<16xf32>
      %get3A_245 = arith.constant 656 : index
      %get3A_246 = tpu.vector_load %arg7[%get3A_245] {strides = array<i32>} : memref<1280xf32, #tpu.memory_space<vmem>>, vector<16xf32>,
      %add3A_247 = arith.addf %add3A_244, %get3A_246 : vector<16xf32>
      %get3A_248 = arith.constant 736 : index
      %get3A_249 = tpu.vector_load %arg7[%get3A_248] {strides = array<i32>} : memref<1280xf32, #tpu.memory_space<vmem>>, vector<16xf32>,
      %add3A_250 = arith.addf %add3A_247, %get3A_249 : vector<16xf32>
      %get3A_251 = arith.constant 816 : index
      %get3A_252 = tpu.vector_load %arg7[%get3A_251] {strides = array<i32>} : memref<1280xf32, #tpu.memory_space<vmem>>, vector<16xf32>,
      %add3A_253 = arith.addf %add3A_250, %get3A_252 : vector<16xf32>
      %get3A_254 = arith.constant 896 : index
      %get3A_255 = tpu.vector_load %arg7[%get3A_254] {strides = array<i32>} : memref<1280xf32, #tpu.memory_space<vmem>>, vector<16xf32>,
      %add3A_256 = arith.addf %add3A_253, %get3A_255 : vector<16xf32>
      %get3A_257 = arith.constant 976 : index
      %get3A_258 = tpu.vector_load %arg7[%get3A_257] {strides = array<i32>} : memref<1280xf32, #tpu.memory_space<vmem>>, vector<16xf32>,
      %add3A_259 = arith.addf %add3A_256, %get3A_258 : vector<16xf32>
      %get3A_260 = arith.constant 1056 : index
      %get3A_261 = tpu.vector_load %arg7[%get3A_260] {strides = array<i32>} : memref<1280xf32, #tpu.memory_space<vmem>>, vector<16xf32>,
      %add3A_262 = arith.addf %add3A_259, %get3A_261 : vector<16xf32>
      %get3A_263 = arith.constant 1136 : index
      %get3A_264 = tpu.vector_load %arg7[%get3A_263] {strides = array<i32>} : memref<1280xf32, #tpu.memory_space<vmem>>, vector<16xf32>,
      %add3A_265 = arith.addf %add3A_262, %get3A_264 : vector<16xf32>
      %get3A_266 = arith.constant 1216 : index
      %get3A_267 = tpu.vector_load %arg7[%get3A_266] {strides = array<i32>} : memref<1280xf32, #tpu.memory_space<vmem>>, vector<16xf32>,
      %add3A_268 = arith.addf %add3A_265, %get3A_267 : vector<16xf32>
      %convert_element_type3A_269 = arith.fptosi %add3A_268 : vector<16xf32> to vector<16xi32>
      %gather3A_270 = tpu.vector_load_idx %arg6[%convert_element_type3A_269] : memref<1280xf32, #tpu.memory_space<vmem>>[vector<16xi32>], vector<16xf32>,
      %swap3A_271 = arith.constant 16 : index
      %swap3A_272 = tpu.vector_load %arg8[%swap3A_271] {strides = array<i32>} : memref<80xf32, #tpu.memory_space<vmem>>, vector<16xf32>,
      tpu.vector_store %arg8[%swap3A_271], %gather3A_270 {strides = array<i32>} : memref<80xf32, #tpu.memory_space<vmem>>, vector<16xf32>,
      %get3A_273 = arith.constant 32 : index
      %get3A_274 = tpu.vector_load %arg7[%get3A_273] {strides = array<i32>} : memref<1280xf32, #tpu.memory_space<vmem>>, vector<16xf32>,
      %add3A_275 = arith.addf %broadcast_in_dim3A_5, %get3A_274 : vector<16xf32>
      %get3A_276 = arith.constant 112 : index
      %get3A_277 = tpu.vector_load %arg7[%get3A_276] {strides = array<i32>} : memref<1280xf32, #tpu.memory_space<vmem>>, vector<16xf32>,
      %add3A_278 = arith.addf %add3A_275, %get3A_277 : vector<16xf32>
      %get3A_279 = arith.constant 192 : index
      %get3A_280 = tpu.vector_load %arg7[%get3A_279] {strides = array<i32>} : memref<1280xf32, #tpu.memory_space<vmem>>, vector<16xf32>,
      %add3A_281 = arith.addf %add3A_278, %get3A_280 : vector<16xf32>
      %get3A_282 = arith.constant 272 : index
      %get3A_283 = tpu.vector_load %arg7[%get3A_282] {strides = array<i32>} : memref<1280xf32, #tpu.memory_space<vmem>>, vector<16xf32>,
      %add3A_284 = arith.addf %add3A_281, %get3A_283 : vector<16xf32>
      %get3A_285 = arith.constant 352 : index
      %get3A_286 = tpu.vector_load %arg7[%get3A_285] {strides = array<i32>} : memref<1280xf32, #tpu.memory_space<vmem>>, vector<16xf32>,
      %add3A_287 = arith.addf %add3A_284, %get3A_286 : vector<16xf32>
      %get3A_288 = arith.constant 432 : index
      %get3A_289 = tpu.vector_load %arg7[%get3A_288] {strides = array<i32>} : memref<1280xf32, #tpu.memory_space<vmem>>, vector<16xf32>,
      %add3A_290 = arith.addf %add3A_287, %get3A_289 : vector<16xf32>
      %get3A_291 = arith.constant 512 : index
      %get3A_292 = tpu.vector_load %arg7[%get3A_291] {strides = array<i32>} : memref<1280xf32, #tpu.memory_space<vmem>>, vector<16xf32>,
      %add3A_293 = arith.addf %add3A_290, %get3A_292 : vector<16xf32>
      %get3A_294 = arith.constant 592 : index
      %get3A_295 = tpu.vector_load %arg7[%get3A_294] {strides = array<i32>} : memref<1280xf32, #tpu.memory_space<vmem>>, vector<16xf32>,
      %add3A_296 = arith.addf %add3A_293, %get3A_295 : vector<16xf32>
      %get3A_297 = arith.constant 672 : index
      %get3A_298 = tpu.vector_load %arg7[%get3A_297] {strides = array<i32>} : memref<1280xf32, #tpu.memory_space<vmem>>, vector<16xf32>,
      %add3A_299 = arith.addf %add3A_296, %get3A_298 : vector<16xf32>
      %get3A_300 = arith.constant 752 : index
      %get3A_301 = tpu.vector_load %arg7[%get3A_300] {strides = array<i32>} : memref<1280xf32, #tpu.memory_space<vmem>>, vector<16xf32>,
      %add3A_302 = arith.addf %add3A_299, %get3A_301 : vector<16xf32>
      %get3A_303 = arith.constant 832 : index
      %get3A_304 = tpu.vector_load %arg7[%get3A_303] {strides = array<i32>} : memref<1280xf32, #tpu.memory_space<vmem>>, vector<16xf32>,
      %add3A_305 = arith.addf %add3A_302, %get3A_304 : vector<16xf32>
      %get3A_306 = arith.constant 912 : index
      %get3A_307 = tpu.vector_load %arg7[%get3A_306] {strides = array<i32>} : memref<1280xf32, #tpu.memory_space<vmem>>, vector<16xf32>,
      %add3A_308 = arith.addf %add3A_305, %get3A_307 : vector<16xf32>
      %get3A_309 = arith.constant 992 : index
      %get3A_310 = tpu.vector_load %arg7[%get3A_309] {strides = array<i32>} : memref<1280xf32, #tpu.memory_space<vmem>>, vector<16xf32>,
      %add3A_311 = arith.addf %add3A_308, %get3A_310 : vector<16xf32>
      %get3A_312 = arith.constant 1072 : index
      %get3A_313 = tpu.vector_load %arg7[%get3A_312] {strides = array<i32>} : memref<1280xf32, #tpu.memory_space<vmem>>, vector<16xf32>,
      %add3A_314 = arith.addf %add3A_311, %get3A_313 : vector<16xf32>
      %get3A_315 = arith.constant 1152 : index
      %get3A_316 = tpu.vector_load %arg7[%get3A_315] {strides = array<i32>} : memref<1280xf32, #tpu.memory_space<vmem>>, vector<16xf32>,
      %add3A_317 = arith.addf %add3A_314, %get3A_316 : vector<16xf32>
      %get3A_318 = arith.constant 1232 : index
      %get3A_319 = tpu.vector_load %arg7[%get3A_318] {strides = array<i32>} : memref<1280xf32, #tpu.memory_space<vmem>>, vector<16xf32>,
      %add3A_320 = arith.addf %add3A_317, %get3A_319 : vector<16xf32>
      %convert_element_type3A_321 = arith.fptosi %add3A_320 : vector<16xf32> to vector<16xi32>
      %gather3A_322 = tpu.vector_load_idx %arg6[%convert_element_type3A_321] : memref<1280xf32, #tpu.memory_space<vmem>>[vector<16xi32>], vector<16xf32>,
      %swap3A_323 = arith.constant 32 : index
      %swap3A_324 = tpu.vector_load %arg8[%swap3A_323] {strides = array<i32>} : memref<80xf32, #tpu.memory_space<vmem>>, vector<16xf32>,
      tpu.vector_store %arg8[%swap3A_323], %gather3A_322 {strides = array<i32>} : memref<80xf32, #tpu.memory_space<vmem>>, vector<16xf32>,
      %get3A_325 = arith.constant 48 : index
      %get3A_326 = tpu.vector_load %arg7[%get3A_325] {strides = array<i32>} : memref<1280xf32, #tpu.memory_space<vmem>>, vector<16xf32>,
      %add3A_327 = arith.addf %broadcast_in_dim3A_5, %get3A_326 : vector<16xf32>
      %get3A_328 = arith.constant 128 : index
      %get3A_329 = tpu.vector_load %arg7[%get3A_328] {strides = array<i32>} : memref<1280xf32, #tpu.memory_space<vmem>>, vector<16xf32>,
      %add3A_330 = arith.addf %add3A_327, %get3A_329 : vector<16xf32>
      %get3A_331 = arith.constant 208 : index
      %get3A_332 = tpu.vector_load %arg7[%get3A_331] {strides = array<i32>} : memref<1280xf32, #tpu.memory_space<vmem>>, vector<16xf32>,
      %add3A_333 = arith.addf %add3A_330, %get3A_332 : vector<16xf32>
      %get3A_334 = arith.constant 288 : index
      %get3A_335 = tpu.vector_load %arg7[%get3A_334] {strides = array<i32>} : memref<1280xf32, #tpu.memory_space<vmem>>, vector<16xf32>,
      %add3A_336 = arith.addf %add3A_333, %get3A_335 : vector<16xf32>
      %get3A_337 = arith.constant 368 : index
      %get3A_338 = tpu.vector_load %arg7[%get3A_337] {strides = array<i32>} : memref<1280xf32, #tpu.memory_space<vmem>>, vector<16xf32>,
      %add3A_339 = arith.addf %add3A_336, %get3A_338 : vector<16xf32>
      %get3A_340 = arith.constant 448 : index
      %get3A_341 = tpu.vector_load %arg7[%get3A_340] {strides = array<i32>} : memref<1280xf32, #tpu.memory_space<vmem>>, vector<16xf32>,
      %add3A_342 = arith.addf %add3A_339, %get3A_341 : vector<16xf32>
      %get3A_343 = arith.constant 528 : index
      %get3A_344 = tpu.vector_load %arg7[%get3A_343] {strides = array<i32>} : memref<1280xf32, #tpu.memory_space<vmem>>, vector<16xf32>,
      %add3A_345 = arith.addf %add3A_342, %get3A_344 : vector<16xf32>
      %get3A_346 = arith.constant 608 : index
      %get3A_347 = tpu.vector_load %arg7[%get3A_346] {strides = array<i32>} : memref<1280xf32, #tpu.memory_space<vmem>>, vector<16xf32>,
      %add3A_348 = arith.addf %add3A_345, %get3A_347 : vector<16xf32>
      %get3A_349 = arith.constant 688 : index
      %get3A_350 = tpu.vector_load %arg7[%get3A_349] {strides = array<i32>} : memref<1280xf32, #tpu.memory_space<vmem>>, vector<16xf32>,
      %add3A_351 = arith.addf %add3A_348, %get3A_350 : vector<16xf32>
      %get3A_352 = arith.constant 768 : index
      %get3A_353 = tpu.vector_load %arg7[%get3A_352] {strides = array<i32>} : memref<1280xf32, #tpu.memory_space<vmem>>, vector<16xf32>,
      %add3A_354 = arith.addf %add3A_351, %get3A_353 : vector<16xf32>
      %get3A_355 = arith.constant 848 : index
      %get3A_356 = tpu.vector_load %arg7[%get3A_355] {strides = array<i32>} : memref<1280xf32, #tpu.memory_space<vmem>>, vector<16xf32>,
      %add3A_357 = arith.addf %add3A_354, %get3A_356 : vector<16xf32>
      %get3A_358 = arith.constant 928 : index
      %get3A_359 = tpu.vector_load %arg7[%get3A_358] {strides = array<i32>} : memref<1280xf32, #tpu.memory_space<vmem>>, vector<16xf32>,
      %add3A_360 = arith.addf %add3A_357, %get3A_359 : vector<16xf32>
      %get3A_361 = arith.constant 1008 : index
      %get3A_362 = tpu.vector_load %arg7[%get3A_361] {strides = array<i32>} : memref<1280xf32, #tpu.memory_space<vmem>>, vector<16xf32>,
      %add3A_363 = arith.addf %add3A_360, %get3A_362 : vector<16xf32>
      %get3A_364 = arith.constant 1088 : index
      %get3A_365 = tpu.vector_load %arg7[%get3A_364] {strides = array<i32>} : memref<1280xf32, #tpu.memory_space<vmem>>, vector<16xf32>,
      %add3A_366 = arith.addf %add3A_363, %get3A_365 : vector<16xf32>
      %get3A_367 = arith.constant 1168 : index
      %get3A_368 = tpu.vector_load %arg7[%get3A_367] {strides = array<i32>} : memref<1280xf32, #tpu.memory_space<vmem>>, vector<16xf32>,
      %add3A_369 = arith.addf %add3A_366, %get3A_368 : vector<16xf32>
      %get3A_370 = arith.constant 1248 : index
      %get3A_371 = tpu.vector_load %arg7[%get3A_370] {strides = array<i32>} : memref<1280xf32, #tpu.memory_space<vmem>>, vector<16xf32>,
      %add3A_372 = arith.addf %add3A_369, %get3A_371 : vector<16xf32>
      %convert_element_type3A_373 = arith.fptosi %add3A_372 : vector<16xf32> to vector<16xi32>
      %gather3A_374 = tpu.vector_load_idx %arg6[%convert_element_type3A_373] : memref<1280xf32, #tpu.memory_space<vmem>>[vector<16xi32>], vector<16xf32>,
      %swap3A_375 = arith.constant 48 : index
      %swap3A_376 = tpu.vector_load %arg8[%swap3A_375] {strides = array<i32>} : memref<80xf32, #tpu.memory_space<vmem>>, vector<16xf32>,
      tpu.vector_store %arg8[%swap3A_375], %gather3A_374 {strides = array<i32>} : memref<80xf32, #tpu.memory_space<vmem>>, vector<16xf32>,
      %get3A_377 = arith.constant 64 : index
      %get3A_378 = tpu.vector_load %arg7[%get3A_377] {strides = array<i32>} : memref<1280xf32, #tpu.memory_space<vmem>>, vector<16xf32>,
      %add3A_379 = arith.addf %broadcast_in_dim3A_5, %get3A_378 : vector<16xf32>
      %get3A_380 = arith.constant 144 : index
      %get3A_381 = tpu.vector_load %arg7[%get3A_380] {strides = array<i32>} : memref<1280xf32, #tpu.memory_space<vmem>>, vector<16xf32>,
      %add3A_382 = arith.addf %add3A_379, %get3A_381 : vector<16xf32>
      %get3A_383 = arith.constant 224 : index
      %get3A_384 = tpu.vector_load %arg7[%get3A_383] {strides = array<i32>} : memref<1280xf32, #tpu.memory_space<vmem>>, vector<16xf32>,
      %add3A_385 = arith.addf %add3A_382, %get3A_384 : vector<16xf32>
      %get3A_386 = arith.constant 304 : index
      %get3A_387 = tpu.vector_load %arg7[%get3A_386] {strides = array<i32>} : memref<1280xf32, #tpu.memory_space<vmem>>, vector<16xf32>,
      %add3A_388 = arith.addf %add3A_385, %get3A_387 : vector<16xf32>
      %get3A_389 = arith.constant 384 : index
      %get3A_390 = tpu.vector_load %arg7[%get3A_389] {strides = array<i32>} : memref<1280xf32, #tpu.memory_space<vmem>>, vector<16xf32>,
      %add3A_391 = arith.addf %add3A_388, %get3A_390 : vector<16xf32>
      %get3A_392 = arith.constant 464 : index
      %get3A_393 = tpu.vector_load %arg7[%get3A_392] {strides = array<i32>} : memref<1280xf32, #tpu.memory_space<vmem>>, vector<16xf32>,
      %add3A_394 = arith.addf %add3A_391, %get3A_393 : vector<16xf32>
      %get3A_395 = arith.constant 544 : index
      %get3A_396 = tpu.vector_load %arg7[%get3A_395] {strides = array<i32>} : memref<1280xf32, #tpu.memory_space<vmem>>, vector<16xf32>,
      %add3A_397 = arith.addf %add3A_394, %get3A_396 : vector<16xf32>
      %get3A_398 = arith.constant 624 : index
      %get3A_399 = tpu.vector_load %arg7[%get3A_398] {strides = array<i32>} : memref<1280xf32, #tpu.memory_space<vmem>>, vector<16xf32>,
      %add3A_400 = arith.addf %add3A_397, %get3A_399 : vector<16xf32>
      %get3A_401 = arith.constant 704 : index
      %get3A_402 = tpu.vector_load %arg7[%get3A_401] {strides = array<i32>} : memref<1280xf32, #tpu.memory_space<vmem>>, vector<16xf32>,
      %add3A_403 = arith.addf %add3A_400, %get3A_402 : vector<16xf32>
      %get3A_404 = arith.constant 784 : index
      %get3A_405 = tpu.vector_load %arg7[%get3A_404] {strides = array<i32>} : memref<1280xf32, #tpu.memory_space<vmem>>, vector<16xf32>,
      %add3A_406 = arith.addf %add3A_403, %get3A_405 : vector<16xf32>
      %get3A_407 = arith.constant 864 : index
      %get3A_408 = tpu.vector_load %arg7[%get3A_407] {strides = array<i32>} : memref<1280xf32, #tpu.memory_space<vmem>>, vector<16xf32>,
      %add3A_409 = arith.addf %add3A_406, %get3A_408 : vector<16xf32>
      %get3A_410 = arith.constant 944 : index
      %get3A_411 = tpu.vector_load %arg7[%get3A_410] {strides = array<i32>} : memref<1280xf32, #tpu.memory_space<vmem>>, vector<16xf32>,
      %add3A_412 = arith.addf %add3A_409, %get3A_411 : vector<16xf32>
      %get3A_413 = arith.constant 1024 : index
      %get3A_414 = tpu.vector_load %arg7[%get3A_413] {strides = array<i32>} : memref<1280xf32, #tpu.memory_space<vmem>>, vector<16xf32>,
      %add3A_415 = arith.addf %add3A_412, %get3A_414 : vector<16xf32>
      %get3A_416 = arith.constant 1104 : index
      %get3A_417 = tpu.vector_load %arg7[%get3A_416] {strides = array<i32>} : memref<1280xf32, #tpu.memory_space<vmem>>, vector<16xf32>,
      %add3A_418 = arith.addf %add3A_415, %get3A_417 : vector<16xf32>
      %get3A_419 = arith.constant 1184 : index
      %get3A_420 = tpu.vector_load %arg7[%get3A_419] {strides = array<i32>} : memref<1280xf32, #tpu.memory_space<vmem>>, vector<16xf32>,
      %add3A_421 = arith.addf %add3A_418, %get3A_420 : vector<16xf32>
      %get3A_422 = arith.constant 1264 : index
      %get3A_423 = tpu.vector_load %arg7[%get3A_422] {strides = array<i32>} : memref<1280xf32, #tpu.memory_space<vmem>>, vector<16xf32>,
      %add3A_424 = arith.addf %add3A_421, %get3A_423 : vector<16xf32>
      %convert_element_type3A_425 = arith.fptosi %add3A_424 : vector<16xf32> to vector<16xi32>
      %gather3A_426 = tpu.vector_load_idx %arg6[%convert_element_type3A_425] : memref<1280xf32, #tpu.memory_space<vmem>>[vector<16xi32>], vector<16xf32>,
      %swap3A_427 = arith.constant 64 : index
      %swap3A_428 = tpu.vector_load %arg8[%swap3A_427] {strides = array<i32>} : memref<80xf32, #tpu.memory_space<vmem>>, vector<16xf32>,
      tpu.vector_store %arg8[%swap3A_427], %gather3A_426 {strides = array<i32>} : memref<80xf32, #tpu.memory_space<vmem>>, vector<16xf32>,
      %scan3A_429 = arith.constant 0 : i32
      %scan3A_430 = arith.constant 0 : i32
      %scan3A_431 = arith.constant 400 : i32
      %scan3A_432 = arith.addi %scan3A_430, %scan3A_431 : i32
      %scan3A_433 = arith.constant 1 : i32
      %scan3A_434 = scf.for %scan3A_519 = %scan3A_430 to %scan3A_432 step %scan3A_433 iter_args(%scan3A_520 = %scan3A_429) -> (i32)  : i32 {
        %mul3A_521 = arith.constant 256 : i32
        %mul3A_522 = arith.muli %scan3A_519, %mul3A_521 : i32
        %add3A_523 = arith.constant 0 : i32
        %add3A_524 = arith.addi %mul3A_522, %add3A_523 : i32
        %swap3A_525 = arith.index_cast %add3A_524 : i32 to index
        %swap3A_526 = tpu.vector_load %arg9[%swap3A_525] {strides = array<i32>} : memref<102400xf32, #tpu.memory_space<vmem>>, vector<16xf32>,
        tpu.vector_store %arg9[%swap3A_525], %broadcast_in_dim3A_3 {strides = array<i32>} : memref<102400xf32, #tpu.memory_space<vmem>>, vector<16xf32>,
        %mul3A_527 = arith.constant 256 : i32
        %mul3A_528 = arith.muli %scan3A_519, %mul3A_527 : i32
        %add3A_529 = arith.constant 16 : i32
        %add3A_530 = arith.addi %mul3A_528, %add3A_529 : i32
        %swap3A_531 = arith.index_cast %add3A_530 : i32 to index
        %swap3A_532 = tpu.vector_load %arg9[%swap3A_531] {strides = array<i32>} : memref<102400xf32, #tpu.memory_space<vmem>>, vector<16xf32>,
        tpu.vector_store %arg9[%swap3A_531], %broadcast_in_dim3A_3 {strides = array<i32>} : memref<102400xf32, #tpu.memory_space<vmem>>, vector<16xf32>,
        %mul3A_533 = arith.constant 256 : i32
        %mul3A_534 = arith.muli %scan3A_519, %mul3A_533 : i32
        %add3A_535 = arith.constant 32 : i32
        %add3A_536 = arith.addi %mul3A_534, %add3A_535 : i32
        %swap3A_537 = arith.index_cast %add3A_536 : i32 to index
        %swap3A_538 = tpu.vector_load %arg9[%swap3A_537] {strides = array<i32>} : memref<102400xf32, #tpu.memory_space<vmem>>, vector<16xf32>,
        tpu.vector_store %arg9[%swap3A_537], %broadcast_in_dim3A_3 {strides = array<i32>} : memref<102400xf32, #tpu.memory_space<vmem>>, vector<16xf32>,
        %mul3A_539 = arith.constant 256 : i32
        %mul3A_540 = arith.muli %scan3A_519, %mul3A_539 : i32
        %add3A_541 = arith.constant 48 : i32
        %add3A_542 = arith.addi %mul3A_540, %add3A_541 : i32
        %swap3A_543 = arith.index_cast %add3A_542 : i32 to index
        %swap3A_544 = tpu.vector_load %arg9[%swap3A_543] {strides = array<i32>} : memref<102400xf32, #tpu.memory_space<vmem>>, vector<16xf32>,
        tpu.vector_store %arg9[%swap3A_543], %broadcast_in_dim3A_3 {strides = array<i32>} : memref<102400xf32, #tpu.memory_space<vmem>>, vector<16xf32>,
        %mul3A_545 = arith.constant 256 : i32
        %mul3A_546 = arith.muli %scan3A_519, %mul3A_545 : i32
        %add3A_547 = arith.constant 64 : i32
        %add3A_548 = arith.addi %mul3A_546, %add3A_547 : i32
        %swap3A_549 = arith.index_cast %add3A_548 : i32 to index
        %swap3A_550 = tpu.vector_load %arg9[%swap3A_549] {strides = array<i32>} : memref<102400xf32, #tpu.memory_space<vmem>>, vector<16xf32>,
        tpu.vector_store %arg9[%swap3A_549], %broadcast_in_dim3A_3 {strides = array<i32>} : memref<102400xf32, #tpu.memory_space<vmem>>, vector<16xf32>,
        %mul3A_551 = arith.constant 256 : i32
        %mul3A_552 = arith.muli %scan3A_519, %mul3A_551 : i32
        %add3A_553 = arith.constant 80 : i32
        %add3A_554 = arith.addi %mul3A_552, %add3A_553 : i32
        %swap3A_555 = arith.index_cast %add3A_554 : i32 to index
        %swap3A_556 = tpu.vector_load %arg9[%swap3A_555] {strides = array<i32>} : memref<102400xf32, #tpu.memory_space<vmem>>, vector<16xf32>,
        tpu.vector_store %arg9[%swap3A_555], %broadcast_in_dim3A_3 {strides = array<i32>} : memref<102400xf32, #tpu.memory_space<vmem>>, vector<16xf32>,
        %mul3A_557 = arith.constant 256 : i32
        %mul3A_558 = arith.muli %scan3A_519, %mul3A_557 : i32
        %add3A_559 = arith.constant 96 : i32
        %add3A_560 = arith.addi %mul3A_558, %add3A_559 : i32
        %swap3A_561 = arith.index_cast %add3A_560 : i32 to index
        %swap3A_562 = tpu.vector_load %arg9[%swap3A_561] {strides = array<i32>} : memref<102400xf32, #tpu.memory_space<vmem>>, vector<16xf32>,
        tpu.vector_store %arg9[%swap3A_561], %broadcast_in_dim3A_3 {strides = array<i32>} : memref<102400xf32, #tpu.memory_space<vmem>>, vector<16xf32>,
        %mul3A_563 = arith.constant 256 : i32
        %mul3A_564 = arith.muli %scan3A_519, %mul3A_563 : i32
        %add3A_565 = arith.constant 112 : i32
        %add3A_566 = arith.addi %mul3A_564, %add3A_565 : i32
        %swap3A_567 = arith.index_cast %add3A_566 : i32 to index
        %swap3A_568 = tpu.vector_load %arg9[%swap3A_567] {strides = array<i32>} : memref<102400xf32, #tpu.memory_space<vmem>>, vector<16xf32>,
        tpu.vector_store %arg9[%swap3A_567], %broadcast_in_dim3A_3 {strides = array<i32>} : memref<102400xf32, #tpu.memory_space<vmem>>, vector<16xf32>,
        %mul3A_569 = arith.constant 256 : i32
        %mul3A_570 = arith.muli %scan3A_519, %mul3A_569 : i32
        %add3A_571 = arith.constant 128 : i32
        %add3A_572 = arith.addi %mul3A_570, %add3A_571 : i32
        %swap3A_573 = arith.index_cast %add3A_572 : i32 to index
        %swap3A_574 = tpu.vector_load %arg9[%swap3A_573] {strides = array<i32>} : memref<102400xf32, #tpu.memory_space<vmem>>, vector<16xf32>,
        tpu.vector_store %arg9[%swap3A_573], %broadcast_in_dim3A_3 {strides = array<i32>} : memref<102400xf32, #tpu.memory_space<vmem>>, vector<16xf32>,
        %mul3A_575 = arith.constant 256 : i32
        %mul3A_576 = arith.muli %scan3A_519, %mul3A_575 : i32
        %add3A_577 = arith.constant 144 : i32
        %add3A_578 = arith.addi %mul3A_576, %add3A_577 : i32
        %swap3A_579 = arith.index_cast %add3A_578 : i32 to index
        %swap3A_580 = tpu.vector_load %arg9[%swap3A_579] {strides = array<i32>} : memref<102400xf32, #tpu.memory_space<vmem>>, vector<16xf32>,
        tpu.vector_store %arg9[%swap3A_579], %broadcast_in_dim3A_3 {strides = array<i32>} : memref<102400xf32, #tpu.memory_space<vmem>>, vector<16xf32>,
        %mul3A_581 = arith.constant 256 : i32
        %mul3A_582 = arith.muli %scan3A_519, %mul3A_581 : i32
        %add3A_583 = arith.constant 160 : i32
        %add3A_584 = arith.addi %mul3A_582, %add3A_583 : i32
        %swap3A_585 = arith.index_cast %add3A_584 : i32 to index
        %swap3A_586 = tpu.vector_load %arg9[%swap3A_585] {strides = array<i32>} : memref<102400xf32, #tpu.memory_space<vmem>>, vector<16xf32>,
        tpu.vector_store %arg9[%swap3A_585], %broadcast_in_dim3A_3 {strides = array<i32>} : memref<102400xf32, #tpu.memory_space<vmem>>, vector<16xf32>,
        %mul3A_587 = arith.constant 256 : i32
        %mul3A_588 = arith.muli %scan3A_519, %mul3A_587 : i32
        %add3A_589 = arith.constant 176 : i32
        %add3A_590 = arith.addi %mul3A_588, %add3A_589 : i32
        %swap3A_591 = arith.index_cast %add3A_590 : i32 to index
        %swap3A_592 = tpu.vector_load %arg9[%swap3A_591] {strides = array<i32>} : memref<102400xf32, #tpu.memory_space<vmem>>, vector<16xf32>,
        tpu.vector_store %arg9[%swap3A_591], %broadcast_in_dim3A_3 {strides = array<i32>} : memref<102400xf32, #tpu.memory_space<vmem>>, vector<16xf32>,
        %mul3A_593 = arith.constant 256 : i32
        %mul3A_594 = arith.muli %scan3A_519, %mul3A_593 : i32
        %add3A_595 = arith.constant 192 : i32
        %add3A_596 = arith.addi %mul3A_594, %add3A_595 : i32
        %swap3A_597 = arith.index_cast %add3A_596 : i32 to index
        %swap3A_598 = tpu.vector_load %arg9[%swap3A_597] {strides = array<i32>} : memref<102400xf32, #tpu.memory_space<vmem>>, vector<16xf32>,
        tpu.vector_store %arg9[%swap3A_597], %broadcast_in_dim3A_3 {strides = array<i32>} : memref<102400xf32, #tpu.memory_space<vmem>>, vector<16xf32>,
        %mul3A_599 = arith.constant 256 : i32
        %mul3A_600 = arith.muli %scan3A_519, %mul3A_599 : i32
        %add3A_601 = arith.constant 208 : i32
        %add3A_602 = arith.addi %mul3A_600, %add3A_601 : i32
        %swap3A_603 = arith.index_cast %add3A_602 : i32 to index
        %swap3A_604 = tpu.vector_load %arg9[%swap3A_603] {strides = array<i32>} : memref<102400xf32, #tpu.memory_space<vmem>>, vector<16xf32>,
        tpu.vector_store %arg9[%swap3A_603], %broadcast_in_dim3A_3 {strides = array<i32>} : memref<102400xf32, #tpu.memory_space<vmem>>, vector<16xf32>,
        %mul3A_605 = arith.constant 256 : i32
        %mul3A_606 = arith.muli %scan3A_519, %mul3A_605 : i32
        %add3A_607 = arith.constant 224 : i32
        %add3A_608 = arith.addi %mul3A_606, %add3A_607 : i32
        %swap3A_609 = arith.index_cast %add3A_608 : i32 to index
        %swap3A_610 = tpu.vector_load %arg9[%swap3A_609] {strides = array<i32>} : memref<102400xf32, #tpu.memory_space<vmem>>, vector<16xf32>,
        tpu.vector_store %arg9[%swap3A_609], %broadcast_in_dim3A_3 {strides = array<i32>} : memref<102400xf32, #tpu.memory_space<vmem>>, vector<16xf32>,
        %mul3A_611 = arith.constant 256 : i32
        %mul3A_612 = arith.muli %scan3A_519, %mul3A_611 : i32
        %add3A_613 = arith.constant 240 : i32
        %add3A_614 = arith.addi %mul3A_612, %add3A_613 : i32
        %swap3A_615 = arith.index_cast %add3A_614 : i32 to index
        %swap3A_616 = tpu.vector_load %arg9[%swap3A_615] {strides = array<i32>} : memref<102400xf32, #tpu.memory_space<vmem>>, vector<16xf32>,
        tpu.vector_store %arg9[%swap3A_615], %broadcast_in_dim3A_3 {strides = array<i32>} : memref<102400xf32, #tpu.memory_space<vmem>>, vector<16xf32>,
        %scan3A_617 = arith.constant 0 : i32
        scf.yield %scan3A_617 : i32
      }
      %scan3A_435 = arith.constant 400 : i32
      %scan3A_436 = arith.constant 0 : i32
      %scan3A_437 = arith.constant 0 : i32
      %scan3A_438 = arith.constant 79 : i32
      %scan3A_439 = arith.addi %scan3A_437, %scan3A_438 : i32
      %scan3A_440 = arith.constant 1 : i32
      %scan3A_441 = scf.for %scan3A_519 = %scan3A_437 to %scan3A_439 step %scan3A_440 iter_args(%scan3A_520 = %scan3A_436) -> (i32)  : i32 {
        %mul3A_521 = arith.constant 16 : i32
        %mul3A_522 = arith.muli %scan3A_519, %mul3A_521 : i32
        %get3A_523 = arith.constant 0 : i32
        %get3A_524 = arith.index_cast %get3A_523 : i32 to index
        %get3A_525 = arith.index_cast %mul3A_522 : i32 to index
        %get3A_526 = tpu.vector_load %arg5[%get3A_524, %get3A_525] {strides = array<i32>} : memref<2x1264xi32, #tpu.memory_space<vmem>>, vector<16xi32>,
        %mul3A_527 = arith.constant 16 : i32
        %mul3A_528 = arith.muli %scan3A_519, %mul3A_527 : i32
        %get3A_529 = arith.constant 1 : i32
        %get3A_530 = arith.index_cast %get3A_529 : i32 to index
        %get3A_531 = arith.index_cast %mul3A_528 : i32 to index
        %get3A_532 = tpu.vector_load %arg5[%get3A_530, %get3A_531] {strides = array<i32>} : memref<2x1264xi32, #tpu.memory_space<vmem>>, vector<16xi32>,
        %gather3A_533 = tpu.vector_load_idx %arg8[%get3A_526] : memref<80xf32, #tpu.memory_space<vmem>>[vector<16xi32>], vector<16xf32>,
        %gather3A_534 = tpu.vector_load_idx %arg8[%get3A_532] : memref<80xf32, #tpu.memory_space<vmem>>[vector<16xi32>], vector<16xf32>,
        %mul3A_535 = arith.mulf %gather3A_533, %gather3A_534 : vector<16xf32>
        %mul3A_536 = arith.constant 6400 : i32
        %mul3A_537 = vector.broadcast %mul3A_536 : i32 to vector<16xi32>
        %mul3A_538 = arith.muli %iota3A, %mul3A_537 : vector<16xi32>
        %mul3A_539 = arith.constant 80 : i32
        %mul3A_540 = vector.broadcast %mul3A_539 : i32 to vector<16xi32>
        %mul3A_541 = arith.muli %get3A_532, %mul3A_540 : vector<16xi32>
        %add3A_542 = arith.addi %mul3A_538, %mul3A_541 : vector<16xi32>
        %add3A_543 = arith.addi %add3A_542, %get3A_526 : vector<16xi32>
        %gather3A_544 = tpu.vector_load_idx %arg9[%add3A_543] : memref<102400xf32, #tpu.memory_space<vmem>>[vector<16xi32>], vector<16xf32>,
        %add3A_545 = arith.addf %gather3A_544, %mul3A_535 : vector<16xf32>
        tpu.vector_store_idx %arg9[%add3A_543], %add3A_545 : memref<102400xf32, #tpu.memory_space<vmem>>[vector<16xi32>], vector<16xf32>,
        %scan3A_546 = arith.constant 0 : i32
        scf.yield %scan3A_546 : i32
      }
      %scan3A_442 = arith.constant 79 : i32
      %scan3A_443 = arith.constant 0 : i32
      %scan3A_444 = arith.constant 0 : i32
      %scan3A_445 = arith.constant 400 : i32
      %scan3A_446 = arith.addi %scan3A_444, %scan3A_445 : i32
      %scan3A_447 = arith.constant 1 : i32
      %scan3A_448 = scf.for %scan3A_519 = %scan3A_444 to %scan3A_446 step %scan3A_447 iter_args(%scan3A_520 = %scan3A_443) -> (i32)  : i32 {
        %broadcast_in_dim3A_521 = arith.constant 0.000000e+00 : f32
        %broadcast_in_dim3A_522 = vector.broadcast %broadcast_in_dim3A_521 : f32 to vector<16xf32>
        %mul3A_523 = arith.constant 16 : i32
        %mul3A_524 = arith.muli %scan3A_519, %mul3A_523 : i32
        %add3A_525 = arith.constant 0 : i32
        %add3A_526 = arith.addi %add3A_525, %mul3A_524 : i32
        %get3A_527 = arith.index_cast %add3A_526 : i32 to index
        %get3A_528 = tpu.vector_load %arg9[%get3A_527] {strides = array<i32>} : memref<102400xf32, #tpu.memory_space<vmem>>, vector<16xf32>,
        %add3A_529 = arith.addf %broadcast_in_dim3A_522, %get3A_528 : vector<16xf32>
        %mul3A_530 = arith.constant 16 : i32
        %mul3A_531 = arith.muli %scan3A_519, %mul3A_530 : i32
        %add3A_532 = arith.constant 6400 : i32
        %add3A_533 = arith.addi %add3A_532, %mul3A_531 : i32
        %get3A_534 = arith.index_cast %add3A_533 : i32 to index
        %get3A_535 = tpu.vector_load %arg9[%get3A_534] {strides = array<i32>} : memref<102400xf32, #tpu.memory_space<vmem>>, vector<16xf32>,
        %add3A_536 = arith.addf %add3A_529, %get3A_535 : vector<16xf32>
        %mul3A_537 = arith.constant 16 : i32
        %mul3A_538 = arith.muli %scan3A_519, %mul3A_537 : i32
        %add3A_539 = arith.constant 12800 : i32
        %add3A_540 = arith.addi %add3A_539, %mul3A_538 : i32
        %get3A_541 = arith.index_cast %add3A_540 : i32 to index
        %get3A_542 = tpu.vector_load %arg9[%get3A_541] {strides = array<i32>} : memref<102400xf32, #tpu.memory_space<vmem>>, vector<16xf32>,
        %add3A_543 = arith.addf %add3A_536, %get3A_542 : vector<16xf32>
        %mul3A_544 = arith.constant 16 : i32
        %mul3A_545 = arith.muli %scan3A_519, %mul3A_544 : i32
        %add3A_546 = arith.constant 19200 : i32
        %add3A_547 = arith.addi %add3A_546, %mul3A_545 : i32
        %get3A_548 = arith.index_cast %add3A_547 : i32 to index
        %get3A_549 = tpu.vector_load %arg9[%get3A_548] {strides = array<i32>} : memref<102400xf32, #tpu.memory_space<vmem>>, vector<16xf32>,
        %add3A_550 = arith.addf %add3A_543, %get3A_549 : vector<16xf32>
        %mul3A_551 = arith.constant 16 : i32
        %mul3A_552 = arith.muli %scan3A_519, %mul3A_551 : i32
        %add3A_553 = arith.constant 25600 : i32
        %add3A_554 = arith.addi %add3A_553, %mul3A_552 : i32
        %get3A_555 = arith.index_cast %add3A_554 : i32 to index
        %get3A_556 = tpu.vector_load %arg9[%get3A_555] {strides = array<i32>} : memref<102400xf32, #tpu.memory_space<vmem>>, vector<16xf32>,
        %add3A_557 = arith.addf %add3A_550, %get3A_556 : vector<16xf32>
        %mul3A_558 = arith.constant 16 : i32
        %mul3A_559 = arith.muli %scan3A_519, %mul3A_558 : i32
        %add3A_560 = arith.constant 32000 : i32
        %add3A_561 = arith.addi %add3A_560, %mul3A_559 : i32
        %get3A_562 = arith.index_cast %add3A_561 : i32 to index
        %get3A_563 = tpu.vector_load %arg9[%get3A_562] {strides = array<i32>} : memref<102400xf32, #tpu.memory_space<vmem>>, vector<16xf32>,
        %add3A_564 = arith.addf %add3A_557, %get3A_563 : vector<16xf32>
        %mul3A_565 = arith.constant 16 : i32
        %mul3A_566 = arith.muli %scan3A_519, %mul3A_565 : i32
        %add3A_567 = arith.constant 38400 : i32
        %add3A_568 = arith.addi %add3A_567, %mul3A_566 : i32
        %get3A_569 = arith.index_cast %add3A_568 : i32 to index
        %get3A_570 = tpu.vector_load %arg9[%get3A_569] {strides = array<i32>} : memref<102400xf32, #tpu.memory_space<vmem>>, vector<16xf32>,
        %add3A_571 = arith.addf %add3A_564, %get3A_570 : vector<16xf32>
        %mul3A_572 = arith.constant 16 : i32
        %mul3A_573 = arith.muli %scan3A_519, %mul3A_572 : i32
        %add3A_574 = arith.constant 44800 : i32
        %add3A_575 = arith.addi %add3A_574, %mul3A_573 : i32
        %get3A_576 = arith.index_cast %add3A_575 : i32 to index
        %get3A_577 = tpu.vector_load %arg9[%get3A_576] {strides = array<i32>} : memref<102400xf32, #tpu.memory_space<vmem>>, vector<16xf32>,
        %add3A_578 = arith.addf %add3A_571, %get3A_577 : vector<16xf32>
        %mul3A_579 = arith.constant 16 : i32
        %mul3A_580 = arith.muli %scan3A_519, %mul3A_579 : i32
        %add3A_581 = arith.constant 51200 : i32
        %add3A_582 = arith.addi %add3A_581, %mul3A_580 : i32
        %get3A_583 = arith.index_cast %add3A_582 : i32 to index
        %get3A_584 = tpu.vector_load %arg9[%get3A_583] {strides = array<i32>} : memref<102400xf32, #tpu.memory_space<vmem>>, vector<16xf32>,
        %add3A_585 = arith.addf %add3A_578, %get3A_584 : vector<16xf32>
        %mul3A_586 = arith.constant 16 : i32
        %mul3A_587 = arith.muli %scan3A_519, %mul3A_586 : i32
        %add3A_588 = arith.constant 57600 : i32
        %add3A_589 = arith.addi %add3A_588, %mul3A_587 : i32
        %get3A_590 = arith.index_cast %add3A_589 : i32 to index
        %get3A_591 = tpu.vector_load %arg9[%get3A_590] {strides = array<i32>} : memref<102400xf32, #tpu.memory_space<vmem>>, vector<16xf32>,
        %add3A_592 = arith.addf %add3A_585, %get3A_591 : vector<16xf32>
        %mul3A_593 = arith.constant 16 : i32
        %mul3A_594 = arith.muli %scan3A_519, %mul3A_593 : i32
        %add3A_595 = arith.constant 64000 : i32
        %add3A_596 = arith.addi %add3A_595, %mul3A_594 : i32
        %get3A_597 = arith.index_cast %add3A_596 : i32 to index
        %get3A_598 = tpu.vector_load %arg9[%get3A_597] {strides = array<i32>} : memref<102400xf32, #tpu.memory_space<vmem>>, vector<16xf32>,
        %add3A_599 = arith.addf %add3A_592, %get3A_598 : vector<16xf32>
        %mul3A_600 = arith.constant 16 : i32
        %mul3A_601 = arith.muli %scan3A_519, %mul3A_600 : i32
        %add3A_602 = arith.constant 70400 : i32
        %add3A_603 = arith.addi %add3A_602, %mul3A_601 : i32
        %get3A_604 = arith.index_cast %add3A_603 : i32 to index
        %get3A_605 = tpu.vector_load %arg9[%get3A_604] {strides = array<i32>} : memref<102400xf32, #tpu.memory_space<vmem>>, vector<16xf32>,
        %add3A_606 = arith.addf %add3A_599, %get3A_605 : vector<16xf32>
        %mul3A_607 = arith.constant 16 : i32
        %mul3A_608 = arith.muli %scan3A_519, %mul3A_607 : i32
        %add3A_609 = arith.constant 76800 : i32
        %add3A_610 = arith.addi %add3A_609, %mul3A_608 : i32
        %get3A_611 = arith.index_cast %add3A_610 : i32 to index
        %get3A_612 = tpu.vector_load %arg9[%get3A_611] {strides = array<i32>} : memref<102400xf32, #tpu.memory_space<vmem>>, vector<16xf32>,
        %add3A_613 = arith.addf %add3A_606, %get3A_612 : vector<16xf32>
        %mul3A_614 = arith.constant 16 : i32
        %mul3A_615 = arith.muli %scan3A_519, %mul3A_614 : i32
        %add3A_616 = arith.constant 83200 : i32
        %add3A_617 = arith.addi %add3A_616, %mul3A_615 : i32
        %get3A_618 = arith.index_cast %add3A_617 : i32 to index
        %get3A_619 = tpu.vector_load %arg9[%get3A_618] {strides = array<i32>} : memref<102400xf32, #tpu.memory_space<vmem>>, vector<16xf32>,
        %add3A_620 = arith.addf %add3A_613, %get3A_619 : vector<16xf32>
        %mul3A_621 = arith.constant 16 : i32
        %mul3A_622 = arith.muli %scan3A_519, %mul3A_621 : i32
        %add3A_623 = arith.constant 89600 : i32
        %add3A_624 = arith.addi %add3A_623, %mul3A_622 : i32
        %get3A_625 = arith.index_cast %add3A_624 : i32 to index
        %get3A_626 = tpu.vector_load %arg9[%get3A_625] {strides = array<i32>} : memref<102400xf32, #tpu.memory_space<vmem>>, vector<16xf32>,
        %add3A_627 = arith.addf %add3A_620, %get3A_626 : vector<16xf32>
        %mul3A_628 = arith.constant 16 : i32
        %mul3A_629 = arith.muli %scan3A_519, %mul3A_628 : i32
        %add3A_630 = arith.constant 96000 : i32
        %add3A_631 = arith.addi %add3A_630, %mul3A_629 : i32
        %get3A_632 = arith.index_cast %add3A_631 : i32 to index
        %get3A_633 = tpu.vector_load %arg9[%get3A_632] {strides = array<i32>} : memref<102400xf32, #tpu.memory_space<vmem>>, vector<16xf32>,
        %add3A_634 = arith.addf %add3A_627, %get3A_633 : vector<16xf32>
        %mul3A_635 = arith.constant 16 : i32
        %mul3A_636 = arith.muli %scan3A_519, %mul3A_635 : i32
        %swap3A_637 = arith.index_cast %mul3A_636 : i32 to index
        %swap3A_638 = tpu.vector_load %arg10[%swap3A_637] {strides = array<i32>} : memref<6400xf32, #tpu.memory_space<vmem>>, vector<16xf32>,
        tpu.vector_store %arg10[%swap3A_637], %add3A_634 {strides = array<i32>} : memref<6400xf32, #tpu.memory_space<vmem>>, vector<16xf32>,
        %scan3A_639 = arith.constant 0 : i32
        scf.yield %scan3A_639 : i32
      }
      %scan3A_449 = arith.constant 400 : i32
      %add3A_450 = arith.constant 0 : i32
      %add3A_451 = vector.broadcast %add3A_450 : i32 to vector<16xi32>
      %add3A_452 = arith.addi %iota3A, %add3A_451 : vector<16xi32>
      %get3A_453 = arith.constant 0 : index
      %get3A_454 = tpu.vector_load %arg8[%get3A_453] {strides = array<i32>} : memref<80xf32, #tpu.memory_space<vmem>>, vector<16xf32>,
      %mul3A_455 = arith.constant 81 : i32
      %mul3A_456 = vector.broadcast %mul3A_455 : i32 to vector<16xi32>
      %mul3A_457 = arith.muli %add3A_452, %mul3A_456 : vector<16xi32>
      %gather3A_458 = tpu.vector_load_idx %arg10[%mul3A_457] : memref<6400xf32, #tpu.memory_space<vmem>>[vector<16xi32>], vector<16xf32>,
      %mul3A_459 = arith.mulf %get3A_454, %get3A_454 : vector<16xf32>
      %add3A_460 = arith.addf %gather3A_458, %mul3A_459 : vector<16xf32>
      %lt3A = arith.constant 79 : i32
      %lt3A_461 = vector.broadcast %lt3A : i32 to vector<16xi32>
      %lt3A_462 = arith.cmpi slt, %add3A_452, %lt3A_461 : vector<16xi32>
      tpu.vector_store_idx %arg10[%mul3A_457], %add3A_460 masked %lt3A_462 : memref<6400xf32, #tpu.memory_space<vmem>>[vector<16xi32>], vector<16xf32>, vector<16xi1>
      %add3A_463 = arith.constant 16 : i32
      %add3A_464 = vector.broadcast %add3A_463 : i32 to vector<16xi32>
      %add3A_465 = arith.addi %iota3A, %add3A_464 : vector<16xi32>
      %get3A_466 = arith.constant 16 : index
      %get3A_467 = tpu.vector_load %arg8[%get3A_466] {strides = array<i32>} : memref<80xf32, #tpu.memory_space<vmem>>, vector<16xf32>,
      %mul3A_468 = arith.constant 81 : i32
      %mul3A_469 = vector.broadcast %mul3A_468 : i32 to vector<16xi32>
      %mul3A_470 = arith.muli %add3A_465, %mul3A_469 : vector<16xi32>
      %gather3A_471 = tpu.vector_load_idx %arg10[%mul3A_470] : memref<6400xf32, #tpu.memory_space<vmem>>[vector<16xi32>], vector<16xf32>,
      %mul3A_472 = arith.mulf %get3A_467, %get3A_467 : vector<16xf32>
      %add3A_473 = arith.addf %gather3A_471, %mul3A_472 : vector<16xf32>
      %lt3A_474 = arith.constant 79 : i32
      %lt3A_475 = vector.broadcast %lt3A_474 : i32 to vector<16xi32>
      %lt3A_476 = arith.cmpi slt, %add3A_465, %lt3A_475 : vector<16xi32>
      tpu.vector_store_idx %arg10[%mul3A_470], %add3A_473 masked %lt3A_476 : memref<6400xf32, #tpu.memory_space<vmem>>[vector<16xi32>], vector<16xf32>, vector<16xi1>
      %add3A_477 = arith.constant 32 : i32
      %add3A_478 = vector.broadcast %add3A_477 : i32 to vector<16xi32>
      %add3A_479 = arith.addi %iota3A, %add3A_478 : vector<16xi32>
      %get3A_480 = arith.constant 32 : index
      %get3A_481 = tpu.vector_load %arg8[%get3A_480] {strides = array<i32>} : memref<80xf32, #tpu.memory_space<vmem>>, vector<16xf32>,
      %mul3A_482 = arith.constant 81 : i32
      %mul3A_483 = vector.broadcast %mul3A_482 : i32 to vector<16xi32>
      %mul3A_484 = arith.muli %add3A_479, %mul3A_483 : vector<16xi32>
      %gather3A_485 = tpu.vector_load_idx %arg10[%mul3A_484] : memref<6400xf32, #tpu.memory_space<vmem>>[vector<16xi32>], vector<16xf32>,
      %mul3A_486 = arith.mulf %get3A_481, %get3A_481 : vector<16xf32>
      %add3A_487 = arith.addf %gather3A_485, %mul3A_486 : vector<16xf32>
      %lt3A_488 = arith.constant 79 : i32
      %lt3A_489 = vector.broadcast %lt3A_488 : i32 to vector<16xi32>
      %lt3A_490 = arith.cmpi slt, %add3A_479, %lt3A_489 : vector<16xi32>
      tpu.vector_store_idx %arg10[%mul3A_484], %add3A_487 masked %lt3A_490 : memref<6400xf32, #tpu.memory_space<vmem>>[vector<16xi32>], vector<16xf32>, vector<16xi1>
      %add3A_491 = arith.constant 48 : i32
      %add3A_492 = vector.broadcast %add3A_491 : i32 to vector<16xi32>
      %add3A_493 = arith.addi %iota3A, %add3A_492 : vector<16xi32>
      %get3A_494 = arith.constant 48 : index
      %get3A_495 = tpu.vector_load %arg8[%get3A_494] {strides = array<i32>} : memref<80xf32, #tpu.memory_space<vmem>>, vector<16xf32>,
      %mul3A_496 = arith.constant 81 : i32
      %mul3A_497 = vector.broadcast %mul3A_496 : i32 to vector<16xi32>
      %mul3A_498 = arith.muli %add3A_493, %mul3A_497 : vector<16xi32>
      %gather3A_499 = tpu.vector_load_idx %arg10[%mul3A_498] : memref<6400xf32, #tpu.memory_space<vmem>>[vector<16xi32>], vector<16xf32>,
      %mul3A_500 = arith.mulf %get3A_495, %get3A_495 : vector<16xf32>
      %add3A_501 = arith.addf %gather3A_499, %mul3A_500 : vector<16xf32>
      %lt3A_502 = arith.constant 79 : i32
      %lt3A_503 = vector.broadcast %lt3A_502 : i32 to vector<16xi32>
      %lt3A_504 = arith.cmpi slt, %add3A_493, %lt3A_503 : vector<16xi32>
      tpu.vector_store_idx %arg10[%mul3A_498], %add3A_501 masked %lt3A_504 : memref<6400xf32, #tpu.memory_space<vmem>>[vector<16xi32>], vector<16xf32>, vector<16xi1>
      %add3A_505 = arith.constant 64 : i32
      %add3A_506 = vector.broadcast %add3A_505 : i32 to vector<16xi32>
      %add3A_507 = arith.addi %iota3A, %add3A_506 : vector<16xi32>
      %get3A_508 = arith.constant 64 : index
      %get3A_509 = tpu.vector_load %arg8[%get3A_508] {strides = array<i32>} : memref<80xf32, #tpu.memory_space<vmem>>, vector<16xf32>,
      %mul3A_510 = arith.constant 81 : i32
      %mul3A_511 = vector.broadcast %mul3A_510 : i32 to vector<16xi32>
      %mul3A_512 = arith.muli %add3A_507, %mul3A_511 : vector<16xi32>
      %gather3A_513 = tpu.vector_load_idx %arg10[%mul3A_512] : memref<6400xf32, #tpu.memory_space<vmem>>[vector<16xi32>], vector<16xf32>,
      %mul3A_514 = arith.mulf %get3A_509, %get3A_509 : vector<16xf32>
      %add3A_515 = arith.addf %gather3A_513, %mul3A_514 : vector<16xf32>
      %lt3A_516 = arith.constant 79 : i32
      %lt3A_517 = vector.broadcast %lt3A_516 : i32 to vector<16xi32>
      %lt3A_518 = arith.cmpi slt, %add3A_507, %lt3A_517 : vector<16xi32>
      tpu.vector_store_idx %arg10[%mul3A_512], %add3A_515 masked %lt3A_518 : memref<6400xf32, #tpu.memory_space<vmem>>[vector<16xi32>], vector<16xf32>, vector<16xi1>
      "tpu.region"() ({
        %run_scoped3A = tpu.sem_alloc : memref<!tpu.dma_semaphore, #tpu.memory_space<semaphore_mem>>
        tpu.enqueue_dma source(%arg10 : memref<6400xf32, #tpu.memory_space<vmem>>) target(%arg4 : memref<6400xf32, #tpu.memory_space<hbm>>) target_semaphore(%run_scoped3A : memref<!tpu.dma_semaphore, #tpu.memory_space<semaphore_mem>>)
        tpu.wait_dma2 semaphore(%run_scoped3A : memref<!tpu.dma_semaphore, #tpu.memory_space<semaphore_mem>>) src(%arg10 : memref<6400xf32, #tpu.memory_space<vmem>>) dst(%arg4 : memref<6400xf32, #tpu.memory_space<hbm>>)
        tpu.yield
      }) : () -> ()
    } else {
    }
    return
  }
}

module attributes {stable_mosaic.version = 14 : i64} {
  func.func @_tc_body(%arg0: i32, %arg1: memref<128x79x98xf32, #tpu.memory_space<vmem>>, %arg2: memref<1x79x30xf32, #tpu.memory_space<vmem>>, %arg3: memref<80x80xbf16, #tpu.memory_space<vmem>>, %arg4: memref<128x128xbf16, #tpu.memory_space<vmem>>, %arg5: memref<1x128xf32, #tpu.memory_space<vmem>>, %arg6: memref<128x128xbf16, #tpu.memory_space<vmem>>, %arg7: memref<1x128xf32, #tpu.memory_space<vmem>>, %arg8: memref<128x128xbf16, #tpu.memory_space<vmem>>, %arg9: memref<1x128xf32, #tpu.memory_space<vmem>>, %arg10: memref<769x256xbf16, #tpu.memory_space<vmem>>, %arg11: memref<1x256xf32, #tpu.memory_space<vmem>>, %arg12: memref<256x256xbf16, #tpu.memory_space<vmem>>, %arg13: memref<1x256xf32, #tpu.memory_space<vmem>>, %arg14: memref<1x256xf32, #tpu.memory_space<vmem>>, %arg15: memref<1x1xf32, #tpu.memory_space<vmem>>, %arg16: memref<128x79xf32, #tpu.memory_space<vmem>>, %arg17: memref<1x1x1xf32, #tpu.memory_space<vmem>>) attributes {dimension_semantics = [#tpu.dimension_semantics<arbitrary>], iteration_bounds = array<i64: 32>, scalar_prefetch = 0 : i64, scratch_operands = 0 : i64, tpu.core_type = #tpu.core_type<tc>, window_params = [{transform_indices = @transform_0, window_bounds = array<i64: 128, 79, 98>}, {pipeline_mode = #tpu.pipeline_mode<synchronous>, transform_indices = @transform_1, window_bounds = array<i64: 1, 79, 30>}, {pipeline_mode = #tpu.pipeline_mode<synchronous>, transform_indices = @transform_2, window_bounds = array<i64: 80, 80>}, {pipeline_mode = #tpu.pipeline_mode<synchronous>, transform_indices = @transform_3, window_bounds = array<i64: 128, 128>}, {pipeline_mode = #tpu.pipeline_mode<synchronous>, transform_indices = @transform_4, window_bounds = array<i64: 1, 128>}, {pipeline_mode = #tpu.pipeline_mode<synchronous>, transform_indices = @transform_5, window_bounds = array<i64: 128, 128>}, {pipeline_mode = #tpu.pipeline_mode<synchronous>, transform_indices = @transform_6, window_bounds = array<i64: 1, 128>}, {pipeline_mode = #tpu.pipeline_mode<synchronous>, transform_indices = @transform_7, window_bounds = array<i64: 128, 128>}, {pipeline_mode = #tpu.pipeline_mode<synchronous>, transform_indices = @transform_8, window_bounds = array<i64: 1, 128>}, {pipeline_mode = #tpu.pipeline_mode<synchronous>, transform_indices = @transform_9, window_bounds = array<i64: 769, 256>}, {pipeline_mode = #tpu.pipeline_mode<synchronous>, transform_indices = @transform_10, window_bounds = array<i64: 1, 256>}, {pipeline_mode = #tpu.pipeline_mode<synchronous>, transform_indices = @transform_11, window_bounds = array<i64: 256, 256>}, {pipeline_mode = #tpu.pipeline_mode<synchronous>, transform_indices = @transform_12, window_bounds = array<i64: 1, 256>}, {pipeline_mode = #tpu.pipeline_mode<synchronous>, transform_indices = @transform_13, window_bounds = array<i64: 1, 256>}, {pipeline_mode = #tpu.pipeline_mode<synchronous>, transform_indices = @transform_14, window_bounds = array<i64: 1, 1>}, {transform_indices = @transform_15, window_bounds = array<i64: 128, 79>}, {transform_indices = @transform_16, window_bounds = array<i64: 1, 1, 1>}]} {
    %get3A = arith.constant 0 : index
    %get3A_0 = arith.constant 0 : index
    %get3A_1 = arith.constant 0 : index
    %get3A_2 = vector.load %arg1[%get3A, %get3A_0, %get3A_1] : memref<128x79x98xf32, #tpu.memory_space<vmem>>, vector<128x79x98xf32>
    %get3A_3 = arith.constant 0 : index
    %get3A_4 = arith.constant 0 : index
    %get3A_5 = arith.constant 0 : index
    %get3A_6 = vector.load %arg2[%get3A_3, %get3A_4, %get3A_5] : memref<1x79x30xf32, #tpu.memory_space<vmem>>, vector<1x79x30xf32>
    %broadcast_in_dim3A = vector.shape_cast %get3A_6 : vector<1x79x30xf32> to vector<1x79x30xf32>
    %broadcast_in_dim3A_7 = vector.broadcast %broadcast_in_dim3A : vector<1x79x30xf32> to vector<128x79x30xf32>
    %concatenate3A = tpu.concatenate %get3A_2, %broadcast_in_dim3A_7 in 2 : vector<128x79x98xf32>, vector<128x79x30xf32> -> vector<128x79x128xf32>
    %broadcast_in_dim3A_8 = arith.constant 0.000000e+00 : f32
    %broadcast_in_dim3A_9 = vector.broadcast %broadcast_in_dim3A_8 : f32 to vector<128x1x128xf32>
    %concatenate3A_10 = tpu.concatenate %concatenate3A, %broadcast_in_dim3A_9 in 1 : vector<128x79x128xf32>, vector<128x1x128xf32> -> vector<128x80x128xf32>
    %get3A_11 = arith.constant 0 : index
    %get3A_12 = arith.constant 0 : index
    %get3A_13 = vector.load %arg3[%get3A_11, %get3A_12] : memref<80x80xbf16, #tpu.memory_space<vmem>>, vector<80x80xbf16>
    %reshape3A = vector.shape_cast %concatenate3A_10 : vector<128x80x128xf32> to vector<10240x128xf32>
    %iota3A = tpu.iota {dimensions = array<i32: 0>} : vector<128x1xi32>
    %eq3A = arith.constant 1 : i32
    %eq3A_14 = vector.broadcast %eq3A : i32 to vector<128x1xi32>
    %eq3A_15 = arith.cmpi eq, %iota3A, %eq3A_14 : vector<128x1xi32>
    %convert_element_type3A = arith.extui %eq3A_15 : vector<128x1xi1> to vector<128x1xi32>
    %convert_element_type3A_16 = arith.sitofp %convert_element_type3A : vector<128x1xi32> to vector<128x1xf32>
    %dot_general3A = arith.constant dense<0.000000e+00> : vector<10240x1xf32>
    %dot_general3A_17 = tpu.matmul %reshape3A, %convert_element_type3A_16, %dot_general3A {dimension_numbers = #tpu.dot_dimension_numbers<[1], [0], [0], [1], [0, 0, 1, 1], [], []>, transpose_lhs_hint = false} : vector<10240x128xf32>, vector<128x1xf32>, vector<10240x1xf32> -> vector<10240x1xf32>
    %reshape3A_18 = vector.shape_cast %dot_general3A_17 : vector<10240x1xf32> to vector<128x80x1xf32>
    %reduce_sum3A = arith.constant dense<0.000000e+00> : vector<128x1xf32>
    %reduce_sum3A_19 = vector.multi_reduction <add>, %reshape3A_18, %reduce_sum3A [1] : vector<128x80x1xf32> to vector<128x1xf32>
    %reshape3A_20 = vector.shape_cast %reduce_sum3A_19 : vector<128x1xf32> to vector<128x1x1xf32>
    %broadcast_in_dim3A_21 = vector.shape_cast %reshape3A_20 : vector<128x1x1xf32> to vector<128x1x1xf32>
    %broadcast_in_dim3A_22 = vector.broadcast %broadcast_in_dim3A_21 : vector<128x1x1xf32> to vector<128x80x1xf32>
    %reshape3A_23 = vector.shape_cast %broadcast_in_dim3A_22 : vector<128x80x1xf32> to vector<10240x1xf32>
    %convert_element_type3A_24 = arith.truncf %reshape3A : vector<10240x128xf32> to vector<10240x128xbf16>
    %get3A_25 = arith.constant 0 : index
    %get3A_26 = arith.constant 0 : index
    %get3A_27 = vector.load %arg4[%get3A_25, %get3A_26] : memref<128x128xbf16, #tpu.memory_space<vmem>>, vector<128x128xbf16>
    %dot_general3A_28 = arith.constant dense<0.000000e+00> : vector<10240x128xf32>
    %dot_general3A_29 = tpu.matmul %convert_element_type3A_24, %get3A_27, %dot_general3A_28 {dimension_numbers = #tpu.dot_dimension_numbers<[1], [0], [0], [1], [0, 0, 1, 1], [], []>, transpose_lhs_hint = false} : vector<10240x128xbf16>, vector<128x128xbf16>, vector<10240x128xf32> -> vector<10240x128xf32>
    %convert_element_type3A_30 = arith.truncf %dot_general3A_29 : vector<10240x128xf32> to vector<10240x128xbf16>
    %reshape3A_31 = vector.shape_cast %convert_element_type3A_30 : vector<10240x128xbf16> to vector<128x80x128xbf16>
    %transpose3A = tpu.transpose %reshape3A_31, [0, 2, 1] : vector<128x80x128xbf16> -> vector<128x128x80xbf16>
    %reshape3A_32 = vector.shape_cast %transpose3A : vector<128x128x80xbf16> to vector<16384x80xbf16>
    %dot_general3A_33 = arith.constant dense<0.000000e+00> : vector<16384x80xf32>
    %dot_general3A_34 = tpu.matmul %reshape3A_32, %get3A_13, %dot_general3A_33 {dimension_numbers = #tpu.dot_dimension_numbers<[1], [1], [0], [0], [0, 0, 1, 0], [], []>, transpose_lhs_hint = false} : vector<16384x80xbf16>, vector<80x80xbf16>, vector<16384x80xf32> -> vector<16384x80xf32>
    %convert_element_type3A_35 = arith.truncf %dot_general3A_34 : vector<16384x80xf32> to vector<16384x80xbf16>
    %reshape3A_36 = vector.shape_cast %convert_element_type3A_35 : vector<16384x80xbf16> to vector<128x128x80xbf16>
    %transpose3A_37 = tpu.transpose %reshape3A_36, [0, 2, 1] : vector<128x128x80xbf16> -> vector<128x80x128xbf16>
    %get3A_38 = arith.constant 0 : index
    %get3A_39 = arith.constant 0 : index
    %get3A_40 = vector.load %arg5[%get3A_38, %get3A_39] : memref<1x128xf32, #tpu.memory_space<vmem>>, vector<1x128xf32>
    %reshape3A_41 = vector.shape_cast %get3A_40 : vector<1x128xf32> to vector<1x1x128xf32>
    %convert_element_type3A_42 = arith.truncf %reshape3A_41 : vector<1x1x128xf32> to vector<1x1x128xbf16>
    %add3A = vector.broadcast %convert_element_type3A_42 : vector<1x1x128xbf16> to vector<128x80x128xbf16>
    %add3A_43 = arith.addf %transpose3A_37, %add3A : vector<128x80x128xbf16>
    %max3A = arith.constant 0.000000e+00 : bf16
    %max3A_44 = vector.broadcast %max3A : bf16 to vector<128x80x128xbf16>
    %max3A_45 = arith.maximumf %add3A_43, %max3A_44 : vector<128x80x128xbf16>
    %reshape3A_46 = vector.shape_cast %max3A_45 : vector<128x80x128xbf16> to vector<10240x128xbf16>
    %get3A_47 = arith.constant 0 : index
    %get3A_48 = arith.constant 0 : index
    %get3A_49 = vector.load %arg6[%get3A_47, %get3A_48] : memref<128x128xbf16, #tpu.memory_space<vmem>>, vector<128x128xbf16>
    %dot_general3A_50 = arith.constant dense<0.000000e+00> : vector<10240x128xf32>
    %dot_general3A_51 = tpu.matmul %reshape3A_46, %get3A_49, %dot_general3A_50 {dimension_numbers = #tpu.dot_dimension_numbers<[1], [0], [0], [1], [0, 0, 1, 1], [], []>, transpose_lhs_hint = false} : vector<10240x128xbf16>, vector<128x128xbf16>, vector<10240x128xf32> -> vector<10240x128xf32>
    %convert_element_type3A_52 = arith.truncf %dot_general3A_51 : vector<10240x128xf32> to vector<10240x128xbf16>
    %reshape3A_53 = vector.shape_cast %convert_element_type3A_52 : vector<10240x128xbf16> to vector<128x80x128xbf16>
    %transpose3A_54 = tpu.transpose %reshape3A_53, [0, 2, 1] : vector<128x80x128xbf16> -> vector<128x128x80xbf16>
    %reshape3A_55 = vector.shape_cast %transpose3A_54 : vector<128x128x80xbf16> to vector<16384x80xbf16>
    %dot_general3A_56 = arith.constant dense<0.000000e+00> : vector<16384x80xf32>
    %dot_general3A_57 = tpu.matmul %reshape3A_55, %get3A_13, %dot_general3A_56 {dimension_numbers = #tpu.dot_dimension_numbers<[1], [1], [0], [0], [0, 0, 1, 0], [], []>, transpose_lhs_hint = false} : vector<16384x80xbf16>, vector<80x80xbf16>, vector<16384x80xf32> -> vector<16384x80xf32>
    %convert_element_type3A_58 = arith.truncf %dot_general3A_57 : vector<16384x80xf32> to vector<16384x80xbf16>
    %reshape3A_59 = vector.shape_cast %convert_element_type3A_58 : vector<16384x80xbf16> to vector<128x128x80xbf16>
    %transpose3A_60 = tpu.transpose %reshape3A_59, [0, 2, 1] : vector<128x128x80xbf16> -> vector<128x80x128xbf16>
    %get3A_61 = arith.constant 0 : index
    %get3A_62 = arith.constant 0 : index
    %get3A_63 = vector.load %arg7[%get3A_61, %get3A_62] : memref<1x128xf32, #tpu.memory_space<vmem>>, vector<1x128xf32>
    %reshape3A_64 = vector.shape_cast %get3A_63 : vector<1x128xf32> to vector<1x1x128xf32>
    %convert_element_type3A_65 = arith.truncf %reshape3A_64 : vector<1x1x128xf32> to vector<1x1x128xbf16>
    %add3A_66 = vector.broadcast %convert_element_type3A_65 : vector<1x1x128xbf16> to vector<128x80x128xbf16>
    %add3A_67 = arith.addf %transpose3A_60, %add3A_66 : vector<128x80x128xbf16>
    %max3A_68 = arith.constant 0.000000e+00 : bf16
    %max3A_69 = vector.broadcast %max3A_68 : bf16 to vector<128x80x128xbf16>
    %max3A_70 = arith.maximumf %add3A_67, %max3A_69 : vector<128x80x128xbf16>
    %reshape3A_71 = vector.shape_cast %max3A_70 : vector<128x80x128xbf16> to vector<10240x128xbf16>
    %get3A_72 = arith.constant 0 : index
    %get3A_73 = arith.constant 0 : index
    %get3A_74 = vector.load %arg8[%get3A_72, %get3A_73] : memref<128x128xbf16, #tpu.memory_space<vmem>>, vector<128x128xbf16>
    %dot_general3A_75 = arith.constant dense<0.000000e+00> : vector<10240x128xf32>
    %dot_general3A_76 = tpu.matmul %reshape3A_71, %get3A_74, %dot_general3A_75 {dimension_numbers = #tpu.dot_dimension_numbers<[1], [0], [0], [1], [0, 0, 1, 1], [], []>, transpose_lhs_hint = false} : vector<10240x128xbf16>, vector<128x128xbf16>, vector<10240x128xf32> -> vector<10240x128xf32>
    %convert_element_type3A_77 = arith.truncf %dot_general3A_76 : vector<10240x128xf32> to vector<10240x128xbf16>
    %reshape3A_78 = vector.shape_cast %convert_element_type3A_77 : vector<10240x128xbf16> to vector<128x80x128xbf16>
    %transpose3A_79 = tpu.transpose %reshape3A_78, [0, 2, 1] : vector<128x80x128xbf16> -> vector<128x128x80xbf16>
    %reshape3A_80 = vector.shape_cast %transpose3A_79 : vector<128x128x80xbf16> to vector<16384x80xbf16>
    %dot_general3A_81 = arith.constant dense<0.000000e+00> : vector<16384x80xf32>
    %dot_general3A_82 = tpu.matmul %reshape3A_80, %get3A_13, %dot_general3A_81 {dimension_numbers = #tpu.dot_dimension_numbers<[1], [1], [0], [0], [0, 0, 1, 0], [], []>, transpose_lhs_hint = false} : vector<16384x80xbf16>, vector<80x80xbf16>, vector<16384x80xf32> -> vector<16384x80xf32>
    %convert_element_type3A_83 = arith.truncf %dot_general3A_82 : vector<16384x80xf32> to vector<16384x80xbf16>
    %reshape3A_84 = vector.shape_cast %convert_element_type3A_83 : vector<16384x80xbf16> to vector<128x128x80xbf16>
    %transpose3A_85 = tpu.transpose %reshape3A_84, [0, 2, 1] : vector<128x128x80xbf16> -> vector<128x80x128xbf16>
    %get3A_86 = arith.constant 0 : index
    %get3A_87 = arith.constant 0 : index
    %get3A_88 = vector.load %arg9[%get3A_86, %get3A_87] : memref<1x128xf32, #tpu.memory_space<vmem>>, vector<1x128xf32>
    %reshape3A_89 = vector.shape_cast %get3A_88 : vector<1x128xf32> to vector<1x1x128xf32>
    %convert_element_type3A_90 = arith.truncf %reshape3A_89 : vector<1x1x128xf32> to vector<1x1x128xbf16>
    %add3A_91 = vector.broadcast %convert_element_type3A_90 : vector<1x1x128xbf16> to vector<128x80x128xbf16>
    %add3A_92 = arith.addf %transpose3A_85, %add3A_91 : vector<128x80x128xbf16>
    %max3A_93 = arith.constant 0.000000e+00 : bf16
    %max3A_94 = vector.broadcast %max3A_93 : bf16 to vector<128x80x128xbf16>
    %max3A_95 = arith.maximumf %add3A_92, %max3A_94 : vector<128x80x128xbf16>
    %reshape3A_96 = vector.shape_cast %max3A_95 : vector<128x80x128xbf16> to vector<10240x128xbf16>
    %get3A_97 = arith.constant 0 : index
    %get3A_98 = arith.constant 0 : index
    %get3A_99 = vector.load %arg8[%get3A_97, %get3A_98] : memref<128x128xbf16, #tpu.memory_space<vmem>>, vector<128x128xbf16>
    %dot_general3A_100 = arith.constant dense<0.000000e+00> : vector<10240x128xf32>
    %dot_general3A_101 = tpu.matmul %reshape3A_96, %get3A_99, %dot_general3A_100 {dimension_numbers = #tpu.dot_dimension_numbers<[1], [0], [0], [1], [0, 0, 1, 1], [], []>, transpose_lhs_hint = false} : vector<10240x128xbf16>, vector<128x128xbf16>, vector<10240x128xf32> -> vector<10240x128xf32>
    %convert_element_type3A_102 = arith.truncf %dot_general3A_101 : vector<10240x128xf32> to vector<10240x128xbf16>
    %reshape3A_103 = vector.shape_cast %convert_element_type3A_102 : vector<10240x128xbf16> to vector<128x80x128xbf16>
    %transpose3A_104 = tpu.transpose %reshape3A_103, [0, 2, 1] : vector<128x80x128xbf16> -> vector<128x128x80xbf16>
    %reshape3A_105 = vector.shape_cast %transpose3A_104 : vector<128x128x80xbf16> to vector<16384x80xbf16>
    %dot_general3A_106 = arith.constant dense<0.000000e+00> : vector<16384x80xf32>
    %dot_general3A_107 = tpu.matmul %reshape3A_105, %get3A_13, %dot_general3A_106 {dimension_numbers = #tpu.dot_dimension_numbers<[1], [1], [0], [0], [0, 0, 1, 0], [], []>, transpose_lhs_hint = false} : vector<16384x80xbf16>, vector<80x80xbf16>, vector<16384x80xf32> -> vector<16384x80xf32>
    %convert_element_type3A_108 = arith.truncf %dot_general3A_107 : vector<16384x80xf32> to vector<16384x80xbf16>
    %reshape3A_109 = vector.shape_cast %convert_element_type3A_108 : vector<16384x80xbf16> to vector<128x128x80xbf16>
    %transpose3A_110 = tpu.transpose %reshape3A_109, [0, 2, 1] : vector<128x128x80xbf16> -> vector<128x80x128xbf16>
    %get3A_111 = arith.constant 0 : index
    %get3A_112 = arith.constant 0 : index
    %get3A_113 = vector.load %arg9[%get3A_111, %get3A_112] : memref<1x128xf32, #tpu.memory_space<vmem>>, vector<1x128xf32>
    %reshape3A_114 = vector.shape_cast %get3A_113 : vector<1x128xf32> to vector<1x1x128xf32>
    %convert_element_type3A_115 = arith.truncf %reshape3A_114 : vector<1x1x128xf32> to vector<1x1x128xbf16>
    %add3A_116 = vector.broadcast %convert_element_type3A_115 : vector<1x1x128xbf16> to vector<128x80x128xbf16>
    %add3A_117 = arith.addf %transpose3A_110, %add3A_116 : vector<128x80x128xbf16>
    %max3A_118 = arith.constant 0.000000e+00 : bf16
    %max3A_119 = vector.broadcast %max3A_118 : bf16 to vector<128x80x128xbf16>
    %max3A_120 = arith.maximumf %add3A_117, %max3A_119 : vector<128x80x128xbf16>
    %reshape3A_121 = vector.shape_cast %max3A_120 : vector<128x80x128xbf16> to vector<10240x128xbf16>
    %get3A_122 = arith.constant 0 : index
    %get3A_123 = arith.constant 0 : index
    %get3A_124 = vector.load %arg8[%get3A_122, %get3A_123] : memref<128x128xbf16, #tpu.memory_space<vmem>>, vector<128x128xbf16>
    %dot_general3A_125 = arith.constant dense<0.000000e+00> : vector<10240x128xf32>
    %dot_general3A_126 = tpu.matmul %reshape3A_121, %get3A_124, %dot_general3A_125 {dimension_numbers = #tpu.dot_dimension_numbers<[1], [0], [0], [1], [0, 0, 1, 1], [], []>, transpose_lhs_hint = false} : vector<10240x128xbf16>, vector<128x128xbf16>, vector<10240x128xf32> -> vector<10240x128xf32>
    %convert_element_type3A_127 = arith.truncf %dot_general3A_126 : vector<10240x128xf32> to vector<10240x128xbf16>
    %reshape3A_128 = vector.shape_cast %convert_element_type3A_127 : vector<10240x128xbf16> to vector<128x80x128xbf16>
    %transpose3A_129 = tpu.transpose %reshape3A_128, [0, 2, 1] : vector<128x80x128xbf16> -> vector<128x128x80xbf16>
    %reshape3A_130 = vector.shape_cast %transpose3A_129 : vector<128x128x80xbf16> to vector<16384x80xbf16>
    %dot_general3A_131 = arith.constant dense<0.000000e+00> : vector<16384x80xf32>
    %dot_general3A_132 = tpu.matmul %reshape3A_130, %get3A_13, %dot_general3A_131 {dimension_numbers = #tpu.dot_dimension_numbers<[1], [1], [0], [0], [0, 0, 1, 0], [], []>, transpose_lhs_hint = false} : vector<16384x80xbf16>, vector<80x80xbf16>, vector<16384x80xf32> -> vector<16384x80xf32>
    %convert_element_type3A_133 = arith.truncf %dot_general3A_132 : vector<16384x80xf32> to vector<16384x80xbf16>
    %reshape3A_134 = vector.shape_cast %convert_element_type3A_133 : vector<16384x80xbf16> to vector<128x128x80xbf16>
    %transpose3A_135 = tpu.transpose %reshape3A_134, [0, 2, 1] : vector<128x128x80xbf16> -> vector<128x80x128xbf16>
    %get3A_136 = arith.constant 0 : index
    %get3A_137 = arith.constant 0 : index
    %get3A_138 = vector.load %arg9[%get3A_136, %get3A_137] : memref<1x128xf32, #tpu.memory_space<vmem>>, vector<1x128xf32>
    %reshape3A_139 = vector.shape_cast %get3A_138 : vector<1x128xf32> to vector<1x1x128xf32>
    %convert_element_type3A_140 = arith.truncf %reshape3A_139 : vector<1x1x128xf32> to vector<1x1x128xbf16>
    %add3A_141 = vector.broadcast %convert_element_type3A_140 : vector<1x1x128xbf16> to vector<128x80x128xbf16>
    %add3A_142 = arith.addf %transpose3A_135, %add3A_141 : vector<128x80x128xbf16>
    %max3A_143 = arith.constant 0.000000e+00 : bf16
    %max3A_144 = vector.broadcast %max3A_143 : bf16 to vector<128x80x128xbf16>
    %max3A_145 = arith.maximumf %add3A_142, %max3A_144 : vector<128x80x128xbf16>
    %reshape3A_146 = vector.shape_cast %max3A_145 : vector<128x80x128xbf16> to vector<10240x128xbf16>
    %get3A_147 = arith.constant 0 : index
    %get3A_148 = arith.constant 0 : index
    %get3A_149 = vector.load %arg10[%get3A_147, %get3A_148] : memref<769x256xbf16, #tpu.memory_space<vmem>>, vector<769x256xbf16>
    %concatenate3A_150 = tpu.concatenate %reshape3A_46, %reshape3A_71, %reshape3A_96, %reshape3A_121, %reshape3A_146, %convert_element_type3A_24 in 1 : vector<10240x128xbf16>, vector<10240x128xbf16>, vector<10240x128xbf16>, vector<10240x128xbf16>, vector<10240x128xbf16>, vector<10240x128xbf16> -> vector<10240x768xbf16>
    %slice3A = vector.extract_strided_slice %get3A_149 {offsets = [0, 0], sizes = [768, 256], strides = [1, 1]} : vector<769x256xbf16> to vector<768x256xbf16>
    %dot_general3A_151 = arith.constant dense<0.000000e+00> : vector<10240x256xf32>
    %dot_general3A_152 = tpu.matmul %concatenate3A_150, %slice3A, %dot_general3A_151 {dimension_numbers = #tpu.dot_dimension_numbers<[1], [0], [0], [1], [0, 0, 1, 1], [], []>, transpose_lhs_hint = false} : vector<10240x768xbf16>, vector<768x256xbf16>, vector<10240x256xf32> -> vector<10240x256xf32>
    %slice3A_153 = vector.extract_strided_slice %get3A_149 {offsets = [768, 0], sizes = [1, 256], strides = [1, 1]} : vector<769x256xbf16> to vector<1x256xbf16>
    %convert_element_type3A_154 = arith.extf %slice3A_153 : vector<1x256xbf16> to vector<1x256xf32>
    %mul3A = vector.broadcast %reshape3A_23 : vector<10240x1xf32> to vector<10240x256xf32>
    %mul3A_155 = vector.broadcast %convert_element_type3A_154 : vector<1x256xf32> to vector<10240x256xf32>
    %mul3A_156 = arith.mulf %mul3A, %mul3A_155 : vector<10240x256xf32>
    %get3A_157 = arith.constant 0 : index
    %get3A_158 = arith.constant 0 : index
    %get3A_159 = vector.load %arg11[%get3A_157, %get3A_158] : memref<1x256xf32, #tpu.memory_space<vmem>>, vector<1x256xf32>
    %add3A_160 = vector.broadcast %get3A_159 : vector<1x256xf32> to vector<10240x256xf32>
    %add3A_161 = arith.addf %mul3A_156, %add3A_160 : vector<10240x256xf32>
    %add3A_162 = arith.addf %dot_general3A_152, %add3A_161 : vector<10240x256xf32>
    %gt3A = arith.constant 0.000000e+00 : f32
    %gt3A_163 = vector.broadcast %gt3A : f32 to vector<10240x256xf32>
    %gt3A_164 = arith.cmpf ogt, %add3A_162, %gt3A_163 : vector<10240x256xf32>
    %mul3A_165 = arith.constant 0.00999999977 : f32
    %mul3A_166 = vector.broadcast %mul3A_165 : f32 to vector<10240x256xf32>
    %mul3A_167 = arith.mulf %mul3A_166, %add3A_162 : vector<10240x256xf32>
    %select_n3A = arith.select %gt3A_164, %add3A_162, %mul3A_167 : vector<10240x256xi1>, vector<10240x256xf32>
    %convert_element_type3A_168 = arith.truncf %select_n3A : vector<10240x256xf32> to vector<10240x256xbf16>
    %get3A_169 = arith.constant 0 : index
    %get3A_170 = arith.constant 0 : index
    %get3A_171 = vector.load %arg12[%get3A_169, %get3A_170] : memref<256x256xbf16, #tpu.memory_space<vmem>>, vector<256x256xbf16>
    %dot_general3A_172 = arith.constant dense<0.000000e+00> : vector<10240x256xf32>
    %dot_general3A_173 = tpu.matmul %convert_element_type3A_168, %get3A_171, %dot_general3A_172 {dimension_numbers = #tpu.dot_dimension_numbers<[1], [0], [0], [1], [0, 0, 1, 1], [], []>, transpose_lhs_hint = false} : vector<10240x256xbf16>, vector<256x256xbf16>, vector<10240x256xf32> -> vector<10240x256xf32>
    %get3A_174 = arith.constant 0 : index
    %get3A_175 = arith.constant 0 : index
    %get3A_176 = vector.load %arg13[%get3A_174, %get3A_175] : memref<1x256xf32, #tpu.memory_space<vmem>>, vector<1x256xf32>
    %add3A_177 = vector.broadcast %get3A_176 : vector<1x256xf32> to vector<10240x256xf32>
    %add3A_178 = arith.addf %dot_general3A_173, %add3A_177 : vector<10240x256xf32>
    %gt3A_179 = arith.constant 0.000000e+00 : f32
    %gt3A_180 = vector.broadcast %gt3A_179 : f32 to vector<10240x256xf32>
    %gt3A_181 = arith.cmpf ogt, %add3A_178, %gt3A_180 : vector<10240x256xf32>
    %mul3A_182 = arith.constant 0.00999999977 : f32
    %mul3A_183 = vector.broadcast %mul3A_182 : f32 to vector<10240x256xf32>
    %mul3A_184 = arith.mulf %mul3A_183, %add3A_178 : vector<10240x256xf32>
    %select_n3A_185 = arith.select %gt3A_181, %add3A_178, %mul3A_184 : vector<10240x256xi1>, vector<10240x256xf32>
    %reshape3A_186 = vector.shape_cast %select_n3A_185 : vector<10240x256xf32> to vector<128x80x256xf32>
    %get3A_187 = arith.constant 0 : index
    %get3A_188 = arith.constant 0 : index
    %get3A_189 = vector.load %arg14[%get3A_187, %get3A_188] : memref<1x256xf32, #tpu.memory_space<vmem>>, vector<1x256xf32>
    %reshape3A_190 = vector.shape_cast %get3A_189 : vector<1x256xf32> to vector<1x1x256xf32>
    %mul3A_191 = vector.broadcast %reshape3A_190 : vector<1x1x256xf32> to vector<128x80x256xf32>
    %mul3A_192 = arith.mulf %reshape3A_186, %mul3A_191 : vector<128x80x256xf32>
    %reduce_sum3A_193 = arith.constant dense<0.000000e+00> : vector<128x80xf32>
    %reduce_sum3A_194 = vector.multi_reduction <add>, %mul3A_192, %reduce_sum3A_193 [2] : vector<128x80x256xf32> to vector<128x80xf32>
    %get3A_195 = arith.constant 0 : index
    %get3A_196 = arith.constant 0 : index
    %get3A_197 = vector.load %arg15[%get3A_195, %get3A_196] : memref<1x1xf32, #tpu.memory_space<vmem>>, vector<1x1xf32>
    %get3A_198 = vector.extract %get3A_197[0, 0] : f32 from vector<1x1xf32>
    %add3A_199 = vector.broadcast %get3A_198 : f32 to vector<128x80xf32>
    %add3A_200 = arith.addf %reduce_sum3A_194, %add3A_199 : vector<128x80xf32>
    %max3A_201 = arith.constant 0.000000e+00 : f32
    %max3A_202 = vector.broadcast %max3A_201 : f32 to vector<128x80xf32>
    %max3A_203 = arith.maximumf %add3A_200, %max3A_202 : vector<128x80xf32>
    %abs3A = math.absf %add3A_200 : vector<128x80xf32>
    %neg3A = arith.constant 0.000000e+00 : f32
    %neg3A_204 = vector.broadcast %neg3A : f32 to vector<128x80xf32>
    %neg3A_205 = arith.subf %neg3A_204, %abs3A : vector<128x80xf32>
    %exp3A = math.exp %neg3A_205 : vector<128x80xf32>
    %add3A_206 = arith.constant 1.000000e+00 : f32
    %add3A_207 = vector.broadcast %add3A_206 : f32 to vector<128x80xf32>
    %add3A_208 = arith.addf %add3A_207, %exp3A : vector<128x80xf32>
    %log3A = math.log %add3A_208 : vector<128x80xf32>
    %add3A_209 = arith.addf %max3A_203, %log3A : vector<128x80xf32>
    %slice3A_210 = vector.extract_strided_slice %add3A_209 {offsets = [0, 0], sizes = [128, 79], strides = [1, 1]} : vector<128x80xf32> to vector<128x79xf32>
    %reduce_sum3A_211 = arith.constant dense<0.000000e+00> : vector<128xf32>
    %reduce_sum3A_212 = vector.multi_reduction <add>, %slice3A_210, %reduce_sum3A_211 [1] : vector<128x79xf32> to vector<128xf32>
    %broadcast_in_dim3A_213 = vector.shape_cast %reduce_sum3A_212 : vector<128xf32> to vector<128x1xf32>
    %add3A_214 = arith.constant 9.99999968E-21 : f32
    %add3A_215 = vector.broadcast %add3A_214 : f32 to vector<128x1xf32>
    %add3A_216 = arith.addf %broadcast_in_dim3A_213, %add3A_215 : vector<128x1xf32>
    %div3A = vector.broadcast %add3A_216 : vector<128x1xf32> to vector<128x79xf32>
    %div3A_217 = arith.divf %slice3A_210, %div3A : vector<128x79xf32>
    %swap3A = arith.constant 0 : index
    %swap3A_218 = arith.constant 0 : index
    %swap3A_219 = vector.load %arg16[%swap3A, %swap3A_218] : memref<128x79xf32, #tpu.memory_space<vmem>>, vector<128x79xf32>
    tpu.vector_store %arg16[%swap3A, %swap3A_218], %div3A_217 {strides = array<i32>} : memref<128x79xf32, #tpu.memory_space<vmem>>, vector<128x79xf32>,
    %abs3A_220 = math.absf %slice3A_210 : vector<128x79xf32>
    %reduce_sum3A_221 = vector.shape_cast %abs3A_220 : vector<128x79xf32> to vector<1x128x79xf32>
    %reduce_sum3A_222 = arith.constant dense<0.000000e+00> : vector<1xf32>
    %reduce_sum3A_223 = vector.multi_reduction <add>, %reduce_sum3A_221, %reduce_sum3A_222 [1, 2] : vector<1x128x79xf32> to vector<1xf32>
    %reduce_sum3A_224 = vector.shape_cast %reduce_sum3A_223 : vector<1xf32> to vector<1x1x1xf32>
    %reduce_sum3A_225 = vector.extract %reduce_sum3A_224[0, 0, 0] : f32 from vector<1x1x1xf32>
    %reshape3A_226 = vector.broadcast %reduce_sum3A_225 : f32 to vector<1x1x1xf32>
    %swap3A_227 = arith.constant 0 : index
    %swap3A_228 = arith.constant 0 : index
    %swap3A_229 = arith.constant 0 : index
    %swap3A_230 = vector.load %arg17[%swap3A_227, %swap3A_228, %swap3A_229] : memref<1x1x1xf32, #tpu.memory_space<vmem>>, vector<1x1x1xf32>
    tpu.vector_store %arg17[%swap3A_227, %swap3A_228, %swap3A_229], %reshape3A_226 {strides = array<i32>} : memref<1x1x1xf32, #tpu.memory_space<vmem>>, vector<1x1x1xf32>,
    return
  }
  func.func @transform_0(%arg0: i32) -> (i32, i32, i32) {
    %c0_i32 = arith.constant 0 : i32
    %c0_i32_0 = arith.constant 0 : i32
    %c0_i32_1 = arith.constant 0 : i32
    return %arg0, %c0_i32, %c0_i32_0 : i32, i32, i32
  }
  func.func @transform_1(%arg0: i32) -> (i32, i32, i32) {
    %c0_i32 = arith.constant 0 : i32
    %c0_i32_0 = arith.constant 0 : i32
    %c0_i32_1 = arith.constant 0 : i32
    %c0_i32_2 = arith.constant 0 : i32
    return %c0_i32, %c0_i32_0, %c0_i32_1 : i32, i32, i32
  }
  func.func @transform_2(%arg0: i32) -> (i32, i32) {
    %c0_i32 = arith.constant 0 : i32
    %c0_i32_0 = arith.constant 0 : i32
    %c0_i32_1 = arith.constant 0 : i32
    return %c0_i32, %c0_i32_0 : i32, i32
  }
  func.func @transform_3(%arg0: i32) -> (i32, i32) {
    %c0_i32 = arith.constant 0 : i32
    %c0_i32_0 = arith.constant 0 : i32
    %c0_i32_1 = arith.constant 0 : i32
    return %c0_i32, %c0_i32_0 : i32, i32
  }
  func.func @transform_4(%arg0: i32) -> (i32, i32) {
    %c0_i32 = arith.constant 0 : i32
    %c0_i32_0 = arith.constant 0 : i32
    %c0_i32_1 = arith.constant 0 : i32
    return %c0_i32, %c0_i32_0 : i32, i32
  }
  func.func @transform_5(%arg0: i32) -> (i32, i32) {
    %c0_i32 = arith.constant 0 : i32
    %c0_i32_0 = arith.constant 0 : i32
    %c0_i32_1 = arith.constant 0 : i32
    return %c0_i32, %c0_i32_0 : i32, i32
  }
  func.func @transform_6(%arg0: i32) -> (i32, i32) {
    %c0_i32 = arith.constant 0 : i32
    %c0_i32_0 = arith.constant 0 : i32
    %c0_i32_1 = arith.constant 0 : i32
    return %c0_i32, %c0_i32_0 : i32, i32
  }
  func.func @transform_7(%arg0: i32) -> (i32, i32) {
    %c0_i32 = arith.constant 0 : i32
    %c0_i32_0 = arith.constant 0 : i32
    %c0_i32_1 = arith.constant 0 : i32
    return %c0_i32, %c0_i32_0 : i32, i32
  }
  func.func @transform_8(%arg0: i32) -> (i32, i32) {
    %c0_i32 = arith.constant 0 : i32
    %c0_i32_0 = arith.constant 0 : i32
    %c0_i32_1 = arith.constant 0 : i32
    return %c0_i32, %c0_i32_0 : i32, i32
  }
  func.func @transform_9(%arg0: i32) -> (i32, i32) {
    %c0_i32 = arith.constant 0 : i32
    %c0_i32_0 = arith.constant 0 : i32
    %c0_i32_1 = arith.constant 0 : i32
    return %c0_i32, %c0_i32_0 : i32, i32
  }
  func.func @transform_10(%arg0: i32) -> (i32, i32) {
    %c0_i32 = arith.constant 0 : i32
    %c0_i32_0 = arith.constant 0 : i32
    %c0_i32_1 = arith.constant 0 : i32
    return %c0_i32, %c0_i32_0 : i32, i32
  }
  func.func @transform_11(%arg0: i32) -> (i32, i32) {
    %c0_i32 = arith.constant 0 : i32
    %c0_i32_0 = arith.constant 0 : i32
    %c0_i32_1 = arith.constant 0 : i32
    return %c0_i32, %c0_i32_0 : i32, i32
  }
  func.func @transform_12(%arg0: i32) -> (i32, i32) {
    %c0_i32 = arith.constant 0 : i32
    %c0_i32_0 = arith.constant 0 : i32
    %c0_i32_1 = arith.constant 0 : i32
    return %c0_i32, %c0_i32_0 : i32, i32
  }
  func.func @transform_13(%arg0: i32) -> (i32, i32) {
    %c0_i32 = arith.constant 0 : i32
    %c0_i32_0 = arith.constant 0 : i32
    %c0_i32_1 = arith.constant 0 : i32
    return %c0_i32, %c0_i32_0 : i32, i32
  }
  func.func @transform_14(%arg0: i32) -> (i32, i32) {
    %c0_i32 = arith.constant 0 : i32
    %c0_i32_0 = arith.constant 0 : i32
    %c0_i32_1 = arith.constant 0 : i32
    return %c0_i32, %c0_i32_0 : i32, i32
  }
  func.func @transform_15(%arg0: i32) -> (i32, i32) {
    %c0_i32 = arith.constant 0 : i32
    %c0_i32_0 = arith.constant 0 : i32
    return %arg0, %c0_i32 : i32, i32
  }
  func.func @transform_16(%arg0: i32) -> (i32, i32, i32) {
    %c0_i32 = arith.constant 0 : i32
    %c0_i32_0 = arith.constant 0 : i32
    %c0_i32_1 = arith.constant 0 : i32
    return %arg0, %c0_i32, %c0_i32_0 : i32, i32, i32
  }
}

</mosaic_0001>

<sc_bundles>
// kernel: kernel.4.cloned.1.call-start
scs
__scs_entry_jumppad:
0x0: {  	(pc) =	sbr.rel $0x88, $3  }
0x1: {  	(tag) =	ssettag $0x0;
	lr =	simm.s32 $0x1  }
0x2: {  	[smem:$0x3F93] =	sst lr;
	_ =	strace $0xD0000000  }
0x3: {  	_ = 	snop  }
0x4: {  	_ = 	snop  }
0x5: {  	_ = 	snop  }
0x6: {  	_ = 	snop  }
0x7: {  	_ = 	snop  }
__scs_overlays_trampoline_lowered:
0x8: {  	[smem:$0x3FA2] =	sst s0  }
0x9: {  	[smem:$0x3FA3] =	sst s1  }
0xa: {  	[smem:$0x3FA4] =	sst s2  }
0xb: {  	[smem:$0x3FA5] =	sst s3  }
0xc: {  	[smem:$0x3FA6] =	sst s4  }
0xd: {  	[smem:$0x3FA7] =	sst s5  }
0xe: {  	[smem:$0x3FA8] =	sst s6  }
0xf: {  	[smem:$0x3FA9] =	sst s7  }
0x10: {  	[smem:$0x3FAA] =	sst s8  }
0x11: {  	[smem:$0x3FAB] =	sst s9;
	s0 =	simm.s32 @!p0 $0x0  }
0x12: {  	s1 =	sld [smem:$0x3F91];
	s0 =	simm.s32 @p0 $0x1  }
0x13: {  	[smem:$0x3FAC] =	sst s0;
	s0 =	simm.s32 @!p1 $0x0  }
0x14: {  	s2 =	sld [smem:$0x3F90];
	s0 =	simm.s32 @p1 $0x1  }
0x15: {  	[smem:$0x3FAD] =	sst s0;
	s0 =	simm.s32 @!p2 $0x0  }
0x16: {  	s3 =	sld [smem:$0x3FDB];
	s0 =	simm.s32 @p2 $0x1  }
0x17: {  	s4 =	simm.s32 $0x1BF5;
	[smem:$0x3FAF] =	sst s0  }
0x18: {  	s0 =	sld [smem:$0x3F92];
	_ =	swait.ge [sflag:s4], $0x0  }
0x19: {  	s7 =	sld [smem:$0x3F93]  }
0x1a: {  	s8 =	sadd.s32 $0xFFFFE003, lr  }
0x1b: {  	s9 =	sadd.s32 $0xFFFFFEF7, lr;
	s5 =	simm.s32 $0xFFFFFFFF;
	p2 =	slt.u32 s8, $0xFFFFF086  }
0x1c: {  	p1 =	slt.u32 s9, $0xF7A;
	s5 =	simm.s32 @!p2 $0x0  }
0x1d: {  	s5 =	simm.s32 @p1 $0x1;
	p0 =	seq.s32 s7, s2  }
0x1e: {  	s7 =	smul.u32 @!p0 $0xF7A, s2;
	p2 =	seq.s32 @!p0 s5, $0x0  }
0x1f: {  	s9 =	smul.u32 $0xF7A, s1;
	s8 =	simm.s32 @!p0 $0x1BF5;
	p2 =	por !p2, p0  }
0x20: {  	[sflag:s8] =	ssyncset.s32 @!p0 $0xFFFFF086;
	s6 =	sadd.s32 @!p0 s3, s7;
	s7 =	simm.s32 @!p0 $0x108  }
0x21: {  	s3 =	sadd.s32 s3, s9;
	s6 =	sadd.s32 @!p0 $0x88, s6;
	s7 =	simm.s32 @p2 $0x1082  }
0x22: {  	[simem:s7], [sflag:s8] =	dma.local @!p0 [hbm:s6], $0xF7A  }
0x23: {  	s9 =	sor.u32 $0xD0000000, s2;
	s6 =	simm.s32 $0x108;
	_ =	swait.ge @!p0 [sflag:s8], $0x0  }
0x24: {  	s3 =	sadd.s32 $0x88, s3;
	s6 =	simm.s32 @!p1 $0x1082;
	[sflag:s4] =	ssyncset.s32 $0xFFFFF086  }
0x25: {  	[simem:s6], [sflag:s4] =	dma.local [hbm:s3], $0xF7A  }
0x26: {  	[smem:$0x3F93] =	sst s1;
	(tag) =	ssettag s2;
	_ =	strace s9  }
0x27: {  	s1 =	sld [smem:$0x3FA3]  }
0x28: {  	s2 =	sld [smem:$0x3FA4]  }
0x29: {  	s4 =	sld [smem:$0x3FA6]  }
0x2a: {  	p0 =	seq.s32 s5, $0x0;
	s5 =	sld [smem:$0x3FA7]  }
0x2b: {  	s6 =	sld [smem:$0x3FA8]  }
0x2c: {  	s7 =	sld [smem:$0x3FA9]  }
0x2d: {  	s3 =	simm.s32 $0x108;
	s8 =	sld [smem:$0x3FAA]  }
0x2e: {  	s3 =	simm.s32 @!p0 $0x1082;
	s9 =	sld [smem:$0x3FAB]  }
0x2f: {  	lr =	sadd.s32 s0, s3;
	s0 =	sld [smem:$0x3FA2]  }
0x30: {  	s3 =	sld [smem:$0x3FA5]  }
0x31: {  	[smem:$0x3FAE] =	sst s10  }
0x32: {  	s10 =	sld [smem:$0x3FAC];
	_ =	sdelay $0x3  }
0x33: {  	p0 =	seq.s32 s10, $0x1;
	s10 =	sld [smem:$0x3FAE];
	_ =	sdelay $0x3  }
0x34: {  	[smem:$0x3FAE] =	sst s10  }
0x35: {  	s10 =	sld [smem:$0x3FAD];
	_ =	sdelay $0x3  }
0x36: {  	p1 =	seq.s32 s10, $0x1;
	s10 =	sld [smem:$0x3FAE];
	_ =	sdelay $0x3  }
0x37: {  	[smem:$0x3FAE] =	sst s10  }
0x38: {  	s10 =	sld [smem:$0x3FAF]  }
0x39: {  	_ = 	snop;
	(pc) =	sbr.ind lr, $3  }
0x3a: {  	_ = 	snop  }
0x3b: {  	_ = 	snop  }
0x3c: {  	p2 =	seq.s32 s10, $0x1;
	s10 =	sld [smem:$0x3FAE]  }
0x3d: {  	_ =	shalt  }
0x3e: {  	_ =	shalt  }
0x3f: {  	_ =	shalt  }
0x40: {  	_ =	shalt  }
0x41: {  	_ =	shalt  }
0x42: {  	_ =	shalt  }
0x43: {  	_ =	shalt  }
0x44: {  	_ =	shalt  }
0x45: {  	_ =	shalt  }
0x46: {  	_ =	shalt  }
0x47: {  	_ =	shalt  }
0x48: {  	_ =	shalt  }
0x49: {  	_ =	shalt  }
0x4a: {  	_ =	shalt  }
0x4b: {  	_ =	shalt  }
0x4c: {  	_ =	shalt  }
0x4d: {  	_ =	shalt  }
0x4e: {  	_ =	shalt  }
0x4f: {  	_ =	shalt  }
0x50: {  	_ =	shalt  }
0x51: {  	_ =	shalt  }
0x52: {  	_ =	shalt  }
0x53: {  	_ =	shalt  }
0x54: {  	_ =	shalt  }
0x55: {  	_ =	shalt  }
0x56: {  	_ =	shalt  }
0x57: {  	_ =	shalt  }
0x58: {  	_ =	shalt  }
0x59: {  	_ =	shalt  }
0x5a: {  	_ =	shalt  }
0x5b: {  	_ =	shalt  }
0x5c: {  	_ =	shalt  }
0x5d: {  	_ =	shalt  }
0x5e: {  	_ =	shalt  }
0x5f: {  	_ =	shalt  }
0x60: {  	_ =	shalt  }
0x61: {  	_ =	shalt  }
0x62: {  	_ =	shalt  }
0x63: {  	_ =	shalt  }
0x64: {  	_ =	shalt  }
0x65: {  	_ =	shalt  }
0x66: {  	_ =	shalt  }
0x67: {  	_ =	shalt  }
0x68: {  	_ =	shalt  }
0x69: {  	_ =	shalt  }
0x6a: {  	_ =	shalt  }
0x6b: {  	_ =	shalt  }
0x6c: {  	_ =	shalt  }
0x6d: {  	_ =	shalt  }
0x6e: {  	_ =	shalt  }
0x6f: {  	_ =	shalt  }
0x70: {  	_ =	shalt  }
0x71: {  	_ =	shalt  }
0x72: {  	_ =	shalt  }
0x73: {  	_ =	shalt  }
0x74: {  	_ =	shalt  }
0x75: {  	_ =	shalt  }
0x76: {  	_ =	shalt  }
0x77: {  	_ =	shalt  }
0x78: {  	_ =	shalt  }
0x79: {  	_ =	shalt  }
0x7a: {  	_ =	shalt  }
0x7b: {  	_ =	shalt  }
0x7c: {  	_ =	shalt  }
0x7d: {  	_ =	shalt  }
0x7e: {  	_ =	shalt  }
0x7f: {  	_ =	shalt  }
0x80: {  	_ =	shalt  }
0x81: {  	_ =	shalt  }
0x82: {  	_ =	shalt  }
0x83: {  	_ =	shalt  }
0x84: {  	_ =	shalt  }
0x85: {  	_ =	shalt  }
0x86: {  	_ =	shalt  }
0x87: {  	_ =	shalt  }
.Lfunc_end0:
.L_simem_size_0:
called_computation_lowered:
.L_overlay_start_0:
0x88: {  	s2 =	sld [smem:$0x3FD9]  }
0x89: {  	s3 =	sld [smem:$0x3FFE];
	_ =	sdelay $0x1  }
0x8a: {  	s1 =	srdreg.scid  }
0x8b: {  	s0 =	sand.u32 $0x1, s1  }
0x8c: {  	s14 =	sshll.u32 s0, $0xA;
	s2 =	sadd.s32 s3, s2  }
0x8d: {  	s2 =	sadd.s32 s2, s14  }
0x8e: {  	[smem:$0x3FBA] =	sst s2  }
0x8f: {  	_ = 	snop  }
0x90: {  	s2 =	sld [smem:$0x3FD0];
	_ =	sdelay $0x2  }
0x91: {  	s4 =	simm.s32 $0xA;
	s5 =	simm.s32 $0x10;
	s15 =	sld [smem:$0x3FC8]  }
0x92: {  	[smem:s5], [sflag:s4] =	dma.local [hbm:s2], $0x1  }
0x93: {  	_ =	swait.eq [sflag:s4], $0x1  }
0x94: {  	[sflag:s4] =	ssyncset.done $0x0  }
0x95: {  	[sflag:s4] =	ssyncadd.s32 $0xFFFFFFFF  }
0x96: {  	s16 =	sld [smem:$0x10];
	(tm) =	ssettm $0x1  }
0x97: {  	s17 =	sld [smem:$0x3FFB];
	_ =	sdelay $0x3  }
0x98: {  	_ =	strace s17  }
0x99: {  	s4 =	sld [smem:$0x3FFC];
	_ =	sdelay $0x3  }
0x9a: {  	_ =	strace s4  }
0x9b: {  	s4 =	sld [smem:$0x3FFD];
	_ =	sdelay $0x3  }
0x9c: {  	_ =	strace s4  }
0x9d: {  	_ =	strace $0x8FFFFFFF  }
0x9e: {  	s18 =	sld [smem:$0x3FDB];
	_ =	sdelay $0x1  }
0x9f: {  	s19 =	simm.s32 $_scs_section_size  }
0xa0: {  	s6 =	simm.s32 $_size__tile_overlayer_lowered;
	s7 =	simm.s32 $_tile_overlayer_lowered  }
0xa1: {  	s22 =	simm.s32 $0x1BFF;
	s21 =	sshll.u32 s7, $0x1;
	s4 =	sadd.s32 s19, s18  }
0xa2: {  	s8 =	simm.s32 $0x0;
	s20 =	sshll.u32 s6, $0x1;
	s6 =	sadd.s32 s21, s4  }
0xa3: {  	[timem:s8], [sflag:s22] =	dma.local [hbm:s6], s20  }
0xa4: {  	_ =	swait.ge [sflag:s22], s20  }
0xa5: {  	s5 =	ssub.s32 $0x0, s20;
	[sflag:s22] =	ssyncset.done $0x0  }
0xa6: {  	[sflag:s22] =	ssyncadd.s32 s5;
	_ =	sdelay $0x1  }
0xa7: {  	s23 =	simm.s32 $0x1B8B  }
0xa8: {  	_ =	swait.ge [sflag:s23], $0x1  }
0xa9: {  	[sflag:s23] =	ssyncset.done $0x0  }
0xaa: {  	s25 =	simm.s32 $0x1B8E;
	s24 =	sld [smem:$0x3FFE];
	[sflag:s23] =	ssyncadd.s32 $0xFFFFFFFF  }
0xab: {  	s26 =	simm.s32 $execute0_lowered;
	[smem:$0x3FD2] =	sst s25  }
0xac: {  	s6 =	sshll.u32 s26, $0x1;
	_ =	strace $0x80000046;
	[dreg:$0x1] =	wrdreg $0xFFFFFFFF  }
0xad: {  	s28 =	simm.s32 $_size_execute0_lowered;
	s4 =	sadd.s32 s4, s6;
	[dreg:$0x0] =	wrdreg $0x0  }
0xae: {  	s6 =	sshll.u32 s28, $0x1;
	[dreg:$0x2] =	wrdreg s4  }
0xaf: {  	[dreg:$0x3] =	wrdreg s6  }
0xb0: {  	[dreg:$0x4] =	wrdreg $0xC0  }
0xb1: {  	_ =	task [dreg:s8], $0x5FFFF  }
0xb2: {  	[dreg:$0x1] =	wrdreg $0xFFFFFFFF  }
0xb3: {  	[dreg:$0x0] =	wrdreg $0x60  }
0xb4: {  	[dreg:$0x2] =	wrdreg s15  }
0xb5: {  	[dreg:$0x3] =	wrdreg s24  }
0xb6: {  	[dreg:$0x4] =	wrdreg s16  }
0xb7: {  	[dreg:$0x5] =	wrdreg $0x9  }
0xb8: {  	_ =	task.clear_ibuf [dreg:s8], $0x6FFFF;
	_ =	strace $0x90000046  }
0xb9: {  	s29 =	simm.s32 $0x9;
	_ =	strace $0x80000048  }
0xba: {  	_ =	swait.ge [sflag:s29], $0x1  }
0xbb: {  	[sflag:s29] =	ssyncadd.s32 $0xFFFFFFFF  }
0xbc: {  	_ =	strace $0x90000048  }
0xbd: {  	_ =	sfence  }
0xbe: {  	s30 =	sld [smem:$0x0];
	_ =	sdelay $0x2  }
0xbf: {  	s31 =	sshll.u32 s1, $0xD;
	s1 =	sshrl.u32 s1, $0x2  }
0xc0: {  	s3 =	sand.u32 $0x4000, s31;
	s1 =	sadd.s32 s1, s30  }
0xc1: {  	s0 =	sor.u32 s3, s0;
	s1 =	sshll.u32 s1, $0x11  }
0xc2: {  	s0 =	sor.u32 s1, s0  }
0xc3: {  	s0 =	sadd.s32 $0x8F2B, s0  }
0xc4: {  	[sflag:s0] =	ssyncadd.remote.s32 $0x1  }
0xc5: {  	_ =	sfence.sel $0xFFFF  }
0xc6: {  	[dreg:$0x0] =	wrdreg $0xFFFFFFFF;
	(pc) =	sbr.abs _section_cstart, $3  }
0xc7: {  	[dreg:$0x1] =	wrdreg $0xFFFFFFFF  }
0xc8: {  	_ =	task.clear_ibuf [dreg:s8], $0x2FFFF;
	_ =	strace $0x9FFFFFFF  }
0xc9: {  	(tm) =	ssettm $0x7FFFFFFF  }
tec
execute0_lowered:
.L_overlay_start_1:
0x0: {  	(tag) =	ssettag $0x1  }
0x1: {  	s0 =	srdreg.scid  }
0x2: {  	s5 =	sand.u32 $0x1, s0;
	s0 =	stileid.u32  }
0x3: {  	s6 =	sshll.u32 s0, $0x1;
	s7 =	ssub.s32 $0x0, s5  }
0x4: {  	p0 =	sne.s32 s6, s7  }
.Ltmp0:
0x5: {  	_ = 	snop;
	(pc) =	sbr.rel @p0 .LBB2_11-.Ltmp0, $4  }
0x6: {  	s1 =	rddreg [dreg:$0x0]  }
0x7: {  	s4 =	rddreg [dreg:$0x1]  }
0x8: {  	s3 =	rddreg [dreg:$0x2]  }
0x9: {  	s2 =	rddreg [dreg:$0x3];
	_ =	strace $0x80000047  }
0xa: {  	v3 =	vlaneseq.u32  }
0xb: {  	s5 =	ssub.s32 $0x2, s5;
	s4 =	sadd.s32 $0x1000, s4;
	s7 =	simm.s32 $0x1;
	v0 =	vmul.u32 $0x51, v3  }
0xc: {  	v1 =	vimm.f32 $0.0e+00;
	s8 =	simm.s32 $0xA00;
	s9 =	simm.s32 $0xF00;
	s6 =	sshrl.u32 s5, $0x1  }
0xd: {  	s10 =	simm.s32 $0x1400;
	s11 =	simm.s32 $0x1A480;
	v2 =	vmul.u32 $0x50, v3;
	v3 =	vmul.u32 $0x1900, v3;
	s5 =	ssub.s32 s5, s6;
	v4 =	vadd.s32 $0x510, v0  }
0xe: {  	s12 =	simm.s32 $0x0;
	s6 =	simm.s32 $0x0;
	s5 =	smax.u32 s5, $0x1;
	v5 =	vadd.s32 $0xA20, v0;
	v6 =	vadd.s32 $0xF30, v0;
	v7 =	vadd.s32 $0x1440, v0  }
.LBB2_2:
0xf: {  	[tilespmem:s6], [sflag:$0x1] =	stream.linear.gather [hbm4b:s1+s6], $0xA00, $0x38;
	[tilespmem:$0x1BD80] =	vst v63  }
0x10: {  	_ =	swait.ge [sflag:s7], $0xA00  }
0x11: {  	[sflag:s7] =	ssyncset.done $0x0  }
0x12: {  	[sflag:s7] =	ssyncadd.s32 $0xFFFFF600  }
0x13: {  	[tilespmem:s8], [sflag:$0x1] =	stream.linear.gather [hbm4b:s4+s6], $0x500, $0x38;
	[tilespmem:$0x1BD80] =	vst v63  }
0x14: {  	_ =	swait.ge [sflag:s7], $0x500  }
0x15: {  	[sflag:s7] =	ssyncset.done $0x0  }
0x16: {  	[sflag:s7] =	ssyncadd.s32 $0xFFFFFB00  }
0x17: {  	[tilespmem:$0xF00] =	vst v1  }
0x18: {  	[tilespmem:$0xF10] =	vst v1  }
0x19: {  	[tilespmem:$0xF20] =	vst v1  }
0x1a: {  	[tilespmem:$0xF30] =	vst v1  }
0x1b: {  	[tilespmem:$0xF40] =	vst v1  }
0x1c: {  	[tilespmem:$0xF50] =	vst v1  }
0x1d: {  	[tilespmem:$0xF60] =	vst v1  }
0x1e: {  	[tilespmem:$0xF70] =	vst v1  }
0x1f: {  	[tilespmem:$0xF80] =	vst v1  }
0x20: {  	[tilespmem:$0xF90] =	vst v1  }
0x21: {  	[tilespmem:$0xFA0] =	vst v1  }
0x22: {  	[tilespmem:$0xFB0] =	vst v1  }
0x23: {  	[tilespmem:$0xFC0] =	vst v1  }
0x24: {  	[tilespmem:$0xFD0] =	vst v1  }
0x25: {  	[tilespmem:$0xFE0] =	vst v1  }
0x26: {  	[tilespmem:$0xFF0] =	vst v1  }
0x27: {  	[tilespmem:$0x1000] =	vst v1  }
0x28: {  	[tilespmem:$0x1010] =	vst v1  }
0x29: {  	[tilespmem:$0x1020] =	vst v1  }
0x2a: {  	[tilespmem:$0x1030] =	vst v1  }
0x2b: {  	[tilespmem:$0x1040] =	vst v1  }
0x2c: {  	[tilespmem:$0x1050] =	vst v1  }
0x2d: {  	[tilespmem:$0x1060] =	vst v1  }
0x2e: {  	[tilespmem:$0x1070] =	vst v1  }
0x2f: {  	[tilespmem:$0x1080] =	vst v1  }
0x30: {  	[tilespmem:$0x1090] =	vst v1  }
0x31: {  	[tilespmem:$0x10A0] =	vst v1  }
0x32: {  	[tilespmem:$0x10B0] =	vst v1  }
0x33: {  	[tilespmem:$0x10C0] =	vst v1  }
0x34: {  	[tilespmem:$0x10D0] =	vst v1  }
0x35: {  	[tilespmem:$0x10E0] =	vst v1  }
0x36: {  	[tilespmem:$0x10F0] =	vst v1  }
0x37: {  	[tilespmem:$0x1100] =	vst v1  }
0x38: {  	[tilespmem:$0x1110] =	vst v1  }
0x39: {  	[tilespmem:$0x1120] =	vst v1  }
0x3a: {  	[tilespmem:$0x1130] =	vst v1  }
0x3b: {  	[tilespmem:$0x1140] =	vst v1  }
0x3c: {  	[tilespmem:$0x1150] =	vst v1  }
0x3d: {  	[tilespmem:$0x1160] =	vst v1  }
0x3e: {  	[tilespmem:$0x1170] =	vst v1  }
0x3f: {  	[tilespmem:$0x1180] =	vst v1  }
0x40: {  	[tilespmem:$0x1190] =	vst v1  }
0x41: {  	[tilespmem:$0x11A0] =	vst v1  }
0x42: {  	[tilespmem:$0x11B0] =	vst v1  }
0x43: {  	[tilespmem:$0x11C0] =	vst v1  }
0x44: {  	[tilespmem:$0x11D0] =	vst v1  }
0x45: {  	[tilespmem:$0x11E0] =	vst v1  }
0x46: {  	[tilespmem:$0x11F0] =	vst v1  }
0x47: {  	[tilespmem:$0x1200] =	vst v1  }
0x48: {  	[tilespmem:$0x1210] =	vst v1  }
0x49: {  	[tilespmem:$0x1220] =	vst v1  }
0x4a: {  	[tilespmem:$0x1230] =	vst v1  }
0x4b: {  	[tilespmem:$0x1240] =	vst v1  }
0x4c: {  	[tilespmem:$0x1250] =	vst v1  }
0x4d: {  	[tilespmem:$0x1260] =	vst v1  }
0x4e: {  	[tilespmem:$0x1270] =	vst v1  }
0x4f: {  	[tilespmem:$0x1280] =	vst v1  }
0x50: {  	[tilespmem:$0x1290] =	vst v1  }
0x51: {  	[tilespmem:$0x12A0] =	vst v1  }
0x52: {  	[tilespmem:$0x12B0] =	vst v1  }
0x53: {  	[tilespmem:$0x12C0] =	vst v1  }
0x54: {  	[tilespmem:$0x12D0] =	vst v1  }
0x55: {  	[tilespmem:$0x12E0] =	vst v1  }
0x56: {  	[tilespmem:$0x12F0] =	vst v1  }
0x57: {  	[tilespmem:$0x1300] =	vst v1  }
0x58: {  	[tilespmem:$0x1310] =	vst v1  }
0x59: {  	[tilespmem:$0x1320] =	vst v1  }
0x5a: {  	[tilespmem:$0x1330] =	vst v1  }
0x5b: {  	[tilespmem:$0x1340] =	vst v1  }
0x5c: {  	[tilespmem:$0x1350] =	vst v1  }
0x5d: {  	[tilespmem:$0x1360] =	vst v1  }
0x5e: {  	[tilespmem:$0x1370] =	vst v1  }
0x5f: {  	[tilespmem:$0x1380] =	vst v1  }
0x60: {  	[tilespmem:$0x1390] =	vst v1  }
0x61: {  	[tilespmem:$0x13A0] =	vst v1  }
0x62: {  	[tilespmem:$0x13B0] =	vst v1  }
0x63: {  	[tilespmem:$0x13C0] =	vst v1  }
0x64: {  	[tilespmem:$0x13D0] =	vst v1  }
0x65: {  	s13 =	sand.u32 $0x70, s6;
	s14 =	sand.u32 $0xF00, s6;
	[tilespmem:$0x13E0] =	vst v1  }
0x66: {  	s13 =	sor.u32 s13, s14;
	[tilespmem:$0x13F0] =	vst v1  }
0x67: {  	v8 =	vld [tilespmem:s13+$0x80];
	_ =	sdelay $0x4  }
0x68: {  	v8 =	vadd.s32 v2, v8;
	_ =	sdelay $0x4  }
0x69: {  	v9 =	vld.idx.msk [tilespmem:v8+s9+$0x0], $0xffff;
	_ =	sdelay $0x4  }
0x6a: {  	s31 =	simm.s32 $0x10;
	s13 =	simm.s32 $0x20;
	v9 =	vadd.f32 $1.000000000e+00, v9  }
0x6b: {  	s15 =	sand.u32 $0x70, s31;
	s14 =	simm.s32 $0x20;
	s16 =	sand.u32 $0xF00, s13  }
.LBB2_3:
0x6c: {  	p0 =	sne.s32 s14, $0x4E0;
	s15 =	sor.u32 s15, s16;
	[tilespmem:v8+s9+$0x0] =	vst.idx.msk $0xffff, v9  }
0x6d: {  	v8 =	vld [tilespmem:s15+$0x80];
	_ =	sdelay $0x4  }
0x6e: {  	v8 =	vadd.s32 v2, v8;
	_ =	sdelay $0x4  }
0x6f: {  	v9 =	vld.idx.msk [tilespmem:v8+s9+$0x0], $0xffff;
	_ =	sdelay $0x2  }
.Ltmp1:
0x70: {  	(pc) =	sbr.rel @p0 .LBB2_3-.Ltmp1, $3  }
0x71: {  	_ =	sdelay $0x1  }
0x72: {  	s13 =	sadd.s32 $0x20, s13;
	v9 =	vadd.f32 $1.000000000e+00, v9  }
0x73: {  	s15 =	sand.u32 $0x70, s14;
	s16 =	sand.u32 $0xF00, s13;
	s14 =	sadd.s32 $0x10, s14  }
0x74: {  	_ =	sdelay $0x3  }
0x75: {  	s13 =	sor.u32 s15, s16;
	[tilespmem:v8+s9+$0x0] =	vst.idx.msk $0xffff, v9  }
0x76: {  	v8 =	vld [tilespmem:s13+$0x80];
	_ =	sdelay $0x4  }
0x77: {  	v8 =	vadd.s32 v2, v8;
	_ =	sdelay $0x4  }
0x78: {  	v9 =	vld.idx.msk [tilespmem:v8+s9+$0x0], $0xffff;
	_ =	sdelay $0x4  }
0x79: {  	v9 =	vadd.f32 $1.000000000e+00, v9;
	_ =	sdelay $0x1  }
0x7a: {  	[tilespmem:v8+s9+$0x0] =	vst.idx.msk $0xffff, v9  }
0x7b: {  	v8 =	vld [tilespmem:$0xF00]  }
0x7c: {  	v9 =	vld [tilespmem:$0xF50]  }
0x7d: {  	v10 =	vld [tilespmem:$0xFA0]  }
0x7e: {  	v11 =	vld [tilespmem:$0xFF0]  }
0x7f: {  	v38 =	vld [tilespmem:$0x1040]  }
0x80: {  	v39 =	vld [tilespmem:$0x1090]  }
0x81: {  	v40 =	vld [tilespmem:$0x10E0]  }
0x82: {  	v41 =	vld [tilespmem:$0x1130]  }
0x83: {  	v42 =	vld [tilespmem:$0x1180]  }
0x84: {  	v43 =	vld [tilespmem:$0x11D0]  }
0x85: {  	v44 =	vld [tilespmem:$0x1220]  }
0x86: {  	v45 =	vld [tilespmem:$0x1270]  }
0x87: {  	v46 =	vld [tilespmem:$0x12C0]  }
0x88: {  	v47 =	vld [tilespmem:$0x1310]  }
0x89: {  	v48 =	vld [tilespmem:$0x1360]  }
0x8a: {  	v49 =	vld [tilespmem:$0x13B0]  }
0x8b: {  	v50 =	vld [tilespmem:$0xF10]  }
0x8c: {  	v51 =	vld [tilespmem:$0xF60]  }
0x8d: {  	v52 =	vld [tilespmem:$0xFB0]  }
0x8e: {  	v12 =	vld [tilespmem:$0x1000]  }
0x8f: {  	v13 =	vld [tilespmem:$0x1050]  }
0x90: {  	v14 =	vld [tilespmem:$0x10A0]  }
0x91: {  	v15 =	vld [tilespmem:$0x10F0]  }
0x92: {  	v16 =	vld [tilespmem:$0x1140]  }
0x93: {  	v17 =	vld [tilespmem:$0x1190]  }
0x94: {  	v18 =	vld [tilespmem:$0x11E0]  }
0x95: {  	v19 =	vld [tilespmem:$0x1230]  }
0x96: {  	v20 =	vld [tilespmem:$0x1280]  }
0x97: {  	v21 =	vld [tilespmem:$0x12D0]  }
0x98: {  	v22 =	vld [tilespmem:$0x1320]  }
0x99: {  	v23 =	vld [tilespmem:$0x1370]  }
0x9a: {  	v24 =	vld [tilespmem:$0x13C0]  }
0x9b: {  	v25 =	vld [tilespmem:$0xF20]  }
0x9c: {  	v26 =	vld [tilespmem:$0xF70];
	v8 =	vadd.f32 $1.000000000e+00, v8  }
0x9d: {  	v27 =	vld [tilespmem:$0xFC0]  }
0x9e: {  	v28 =	vld [tilespmem:$0x1010];
	v8 =	vadd.f32 v9, v8  }
0x9f: {  	v29 =	vld [tilespmem:$0x1060]  }
0xa0: {  	v30 =	vld [tilespmem:$0x10B0];
	v8 =	vadd.f32 v10, v8  }
0xa1: {  	v31 =	vld [tilespmem:$0x1100];
	v9 =	vadd.f32 $1.000000000e+00, v50  }
0xa2: {  	v32 =	vld [tilespmem:$0x1150];
	v8 =	vadd.f32 v11, v8  }
0xa3: {  	v53 =	vld [tilespmem:$0x11A0];
	v9 =	vadd.f32 v51, v9  }
0xa4: {  	v33 =	vld [tilespmem:$0x11F0];
	v8 =	vadd.f32 v38, v8  }
0xa5: {  	v54 =	vld [tilespmem:$0x1240];
	v9 =	vadd.f32 v52, v9  }
0xa6: {  	v57 =	vld [tilespmem:$0xF30];
	v55 =	vadd.f32 $1.000000000e+00, v25;
	v8 =	vadd.f32 v39, v8  }
0xa7: {  	v34 =	vld [tilespmem:$0x1290];
	v9 =	vadd.f32 v12, v9  }
0xa8: {  	v59 =	vld [tilespmem:$0xF80];
	v12 =	vadd.f32 v26, v55;
	v8 =	vadd.f32 v40, v8  }
0xa9: {  	v56 =	vld [tilespmem:$0x12E0];
	v9 =	vadd.f32 v13, v9  }
0xaa: {  	v61 =	vld [tilespmem:$0xFD0];
	v12 =	vadd.f32 v27, v12;
	v8 =	vadd.f32 v41, v8  }
0xab: {  	v62 =	vld [tilespmem:$0x1020];
	v13 =	vadd.f32 $1.000000000e+00, v57;
	v9 =	vadd.f32 v14, v9  }
0xac: {  	v63 =	vld [tilespmem:$0xF40];
	v12 =	vadd.f32 v28, v12;
	v8 =	vadd.f32 v42, v8  }
0xad: {  	v35 =	vld [tilespmem:$0x1330];
	v13 =	vadd.f32 v59, v13;
	v9 =	vadd.f32 v15, v9  }
0xae: {  	v36 =	vld [tilespmem:$0x1070];
	v12 =	vadd.f32 v29, v12;
	v8 =	vadd.f32 v43, v8  }
0xaf: {  	v37 =	vld [tilespmem:$0xF90];
	v13 =	vadd.f32 v61, v13;
	v9 =	vadd.f32 v16, v9  }
0xb0: {  	v58 =	vld [tilespmem:$0x1380];
	v12 =	vadd.f32 v30, v12;
	v8 =	vadd.f32 v44, v8  }
0xb1: {  	v38 =	vld [tilespmem:$0x10C0];
	v13 =	vadd.f32 v62, v13;
	v16 =	vadd.f32 $1.000000000e+00, v63  }
0xb2: {  	v39 =	vld [tilespmem:$0xFE0];
	v9 =	vadd.f32 v17, v9;
	v8 =	vadd.f32 v45, v8  }
0xb3: {  	v60 =	vld [tilespmem:$0x13D0];
	v12 =	vadd.f32 v31, v12;
	v13 =	vadd.f32 v36, v13  }
0xb4: {  	v40 =	vld [tilespmem:$0x1110];
	v42 =	vadd.f32 v37, v16;
	v8 =	vadd.f32 v46, v8  }
0xb5: {  	v50 =	vld [tilespmem:$0x1170];
	v9 =	vadd.f32 v18, v9;
	v12 =	vadd.f32 v32, v12  }
0xb6: {  	v41 =	vld [tilespmem:$0x1030];
	v13 =	vadd.f32 v38, v13;
	v8 =	vadd.f32 v47, v8  }
0xb7: {  	v43 =	vld [tilespmem:$0x1160];
	v14 =	vadd.f32 v39, v42;
	v9 =	vadd.f32 v19, v9  }
0xb8: {  	v44 =	vld [tilespmem:$0x1080];
	v10 =	vadd.f32 v53, v12;
	v8 =	vadd.f32 v48, v8  }
0xb9: {  	v45 =	vld [tilespmem:$0x11B0];
	v13 =	vadd.f32 v40, v13;
	v9 =	vadd.f32 v20, v9  }
0xba: {  	v10 =	vadd.f32 v33, v10;
	v46 =	vld [tilespmem:$0x10D0];
	v8 =	vadd.f32 v49, v8  }
0xbb: {  	v14 =	vadd.f32 v41, v14;
	v9 =	vadd.f32 v21, v9;
	v47 =	vld [tilespmem:$0x1200]  }
0xbc: {  	v13 =	vadd.f32 v43, v13;
	v10 =	vadd.f32 v54, v10;
	v48 =	vld [tilespmem:$0x1120];
	v8 =	vtrunc.f32 v8  }
0xbd: {  	v51 =	vld [tilespmem:$0x12A0];
	v12 =	vadd.f32 v44, v14;
	v9 =	vadd.f32 v22, v9;
	v8 =	vcvt.f32.s32 v8  }
0xbe: {  	v13 =	vadd.f32 v45, v13;
	v10 =	vadd.f32 v34, v10;
	v49 =	vld [tilespmem:$0x1250]  }
0xbf: {  	v52 =	vld [tilespmem:$0x11C0];
	v12 =	vadd.f32 v46, v12;
	v9 =	vadd.f32 v23, v9  }
0xc0: {  	v55 =	vld [tilespmem:$0x1340];
	v10 =	vadd.f32 v56, v10;
	v13 =	vadd.f32 v47, v13  }
0xc1: {  	v53 =	vld [tilespmem:$0x12F0];
	v9 =	vadd.f32 v24, v9;
	v11 =	vadd.f32 v48, v12  }
0xc2: {  	v54 =	vld [tilespmem:$0x1210];
	v10 =	vadd.f32 v35, v10  }
0xc3: {  	v9 =	vtrunc.f32 v9;
	v13 =	vadd.f32 v49, v13;
	v11 =	vadd.f32 v50, v11;
	v8 =	vld.idx.msk [tilespmem:v8+s8+$0x0], $0xffff  }
0xc4: {  	v56 =	vld [tilespmem:$0x1260];
	v10 =	vadd.f32 v58, v10;
	v9 =	vcvt.f32.s32 v9  }
0xc5: {  	v57 =	vld [tilespmem:$0x1390];
	v13 =	vadd.f32 v51, v13;
	v11 =	vadd.f32 v52, v11  }
0xc6: {  	v58 =	vld [tilespmem:$0x12B0];
	v10 =	vadd.f32 v60, v10  }
0xc7: {  	v59 =	vld [tilespmem:$0x13E0];
	v12 =	vadd.f32 v53, v13;
	v11 =	vadd.f32 v54, v11  }
0xc8: {  	[tilespmem:$0x1400] =	vst v8;
	v8 =	vld [tilespmem:$0x1300]  }
0xc9: {  	v60 =	vld [tilespmem:$0x1350];
	v10 =	vtrunc.f32 v10;
	v12 =	vadd.f32 v55, v12;
	v11 =	vadd.f32 v56, v11  }
0xca: {  	v10 =	vcvt.f32.s32 v10;
	v9 =	vld.idx.msk [tilespmem:v9+s8+$0x0], $0xffff  }
0xcb: {  	v12 =	vadd.f32 v57, v12;
	v11 =	vadd.f32 v58, v11  }
0xcc: {  	v61 =	vld [tilespmem:$0x13A0]  }
0xcd: {  	v12 =	vadd.f32 v59, v12;
	v8 =	vadd.f32 v8, v11  }
0xce: {  	v62 =	vld [tilespmem:$0x13F0]  }
0xcf: {  	v63 =	vtrunc.f32 v12;
	[tilespmem:$0x1410] =	vst v9;
	v8 =	vadd.f32 v60, v8  }
0xd0: {  	v9 =	vcvt.f32.s32 v63;
	v10 =	vld.idx.msk [tilespmem:v10+s8+$0x0], $0xffff  }
0xd1: {  	v8 =	vadd.f32 v61, v8;
	_ =	sdelay $0x1  }
0xd2: {  	v8 =	vadd.f32 v62, v8;
	_ =	sdelay $0x1  }
0xd3: {  	[tilespmem:$0x1420] =	vst v10;
	v8 =	vtrunc.f32 v8  }
0xd4: {  	v9 =	vld.idx.msk [tilespmem:v9+s8+$0x0], $0xffff;
	v8 =	vcvt.f32.s32 v8;
	_ =	sdelay $0x4  }
0xd5: {  	[tilespmem:$0x1430] =	vst v9  }
0xd6: {  	v8 =	vld.idx.msk [tilespmem:v8+s8+$0x0], $0xffff;
	_ =	sdelay $0x4  }
0xd7: {  	s14 =	simm.s32 $0x0;
	s15 =	simm.s32 $0x400;
	s13 =	simm.s32 $0x0;
	[tilespmem:$0x1440] =	vst v8  }
.LBB2_5:
0xd8: {  	p0 =	sne.s32 s15, $0x63C00;
	[tilespmem:s14+$0x1570] =	vst v1  }
0xd9: {  	[tilespmem:s14+$0x1480] =	vst v1  }
0xda: {  	[tilespmem:s14+$0x1490] =	vst v1  }
0xdb: {  	[tilespmem:s14+$0x14A0] =	vst v1  }
0xdc: {  	[tilespmem:s14+$0x14B0] =	vst v1  }
0xdd: {  	[tilespmem:s14+$0x14C0] =	vst v1  }
0xde: {  	[tilespmem:s14+$0x14D0] =	vst v1  }
0xdf: {  	[tilespmem:s14+$0x14E0] =	vst v1  }
0xe0: {  	[tilespmem:s14+$0x14F0] =	vst v1  }
0xe1: {  	[tilespmem:s14+$0x1500] =	vst v1  }
0xe2: {  	[tilespmem:s14+$0x1510] =	vst v1  }
.Ltmp2:
0xe3: {  	[tilespmem:s14+$0x1520] =	vst v1;
	(pc) =	sbr.rel @p0 .LBB2_5-.Ltmp2, $4  }
0xe4: {  	[tilespmem:s14+$0x1530] =	vst v1  }
0xe5: {  	[tilespmem:s14+$0x1540] =	vst v1  }
0xe6: {  	[tilespmem:s14+$0x1550] =	vst v1  }
0xe7: {  	[tilespmem:s14+$0x1560] =	vst v1;
	s14 =	sshra.s32 s15, $0x2;
	s15 =	sadd.s32 $0x400, s15  }
0xe8: {  	[tilespmem:s14+$0x1570] =	vst v1  }
0xe9: {  	[tilespmem:s14+$0x1480] =	vst v1  }
0xea: {  	[tilespmem:s14+$0x1490] =	vst v1  }
0xeb: {  	[tilespmem:s14+$0x14A0] =	vst v1  }
0xec: {  	[tilespmem:s14+$0x14B0] =	vst v1  }
0xed: {  	[tilespmem:s14+$0x14C0] =	vst v1  }
0xee: {  	[tilespmem:s14+$0x14D0] =	vst v1  }
0xef: {  	[tilespmem:s14+$0x14E0] =	vst v1  }
0xf0: {  	[tilespmem:s14+$0x14F0] =	vst v1  }
0xf1: {  	[tilespmem:s14+$0x1500] =	vst v1  }
0xf2: {  	[tilespmem:s14+$0x1510] =	vst v1  }
0xf3: {  	[tilespmem:s14+$0x1520] =	vst v1  }
0xf4: {  	[tilespmem:s14+$0x1530] =	vst v1  }
0xf5: {  	[tilespmem:s14+$0x1540] =	vst v1  }
0xf6: {  	[tilespmem:s14+$0x1550] =	vst v1  }
0xf7: {  	[tilespmem:s14+$0x1560] =	vst v1;
	s14 =	simm.s32 $0x0  }
.LBB2_7:
0xf8: {  	s15 =	sand.u32 $0x70, s14;
	s16 =	sand.u32 $0xF00, s13  }
0xf9: {  	s15 =	sor.u32 s15, s16  }
0xfa: {  	v8 =	vld [tilespmem:s15+$0x80];
	_ =	sdelay $0x1  }
0xfb: {  	v9 =	vld [tilespmem:s15+$0x0];
	_ =	sdelay $0x2  }
0xfc: {  	v10 =	vmul.u32 $0x50, v8;
	_ =	sdelay $0x1  }
0xfd: {  	v10 =	vadd.s32 v10, v9  }
0xfe: {  	v10 =	vadd.s32 v3, v10;
	_ =	sdelay $0x1  }
0xff: {  	v9 =	vld.idx.msk [tilespmem:v9+s10+$0x0], $0xffff  }
0x100: {  	v8 =	vld.idx.msk [tilespmem:v8+s10+$0x0], $0xffff  }
0x101: {  	s15 =	simm.s32 $0x1480  }
0x102: {  	v11 =	vld.idx.msk [tilespmem:v10+s15+$0x0], $0xffff;
	_ =	sdelay $0x1  }
0x103: {  	p0 =	sne.s32 s14, $0x4E0  }
.Ltmp3:
0x104: {  	v8 =	vmul.f32 v8, v9;
	(pc) =	sbr.rel @p0 .LBB2_7-.Ltmp3, $3  }
0x105: {  	_ = 	snop  }
0x106: {  	v8 =	vadd.f32 v8, v11;
	_ =	sdelay $0x1  }
0x107: {  	s13 =	sadd.s32 $0x20, s13;
	s14 =	sadd.s32 $0x10, s14;
	[tilespmem:v10+s15+$0x0] =	vst.idx.msk $0xffff, v8  }
0x108: {  	s13 =	simm.s32 $0x0;
	v8 =	vld [tilespmem:s15+$0x0]  }
0x109: {  	s13 =	sand.u32 $0x1FF0, s13  }
0x10a: {  	v9 =	vld [tilespmem:s13+$0x2D80];
	_ =	sdelay $0x1  }
0x10b: {  	v10 =	vld [tilespmem:s13+$0x4680]  }
0x10c: {  	v8 =	vadd.f32 $0.0e+00, v8  }
0x10d: {  	v11 =	vld [tilespmem:s13+$0x5F80]  }
0x10e: {  	v8 =	vadd.f32 v9, v8  }
0x10f: {  	v9 =	vld [tilespmem:s13+$0x7880]  }
0x110: {  	v8 =	vadd.f32 v10, v8  }
0x111: {  	v10 =	vld [tilespmem:s13+$0x9180]  }
0x112: {  	v8 =	vadd.f32 v11, v8  }
0x113: {  	v11 =	vld [tilespmem:s13+$0xAA80]  }
0x114: {  	v8 =	vadd.f32 v9, v8  }
0x115: {  	v9 =	vld [tilespmem:s13+$0xC380]  }
0x116: {  	v8 =	vadd.f32 v10, v8  }
0x117: {  	v10 =	vld [tilespmem:s13+$0xDC80]  }
0x118: {  	v8 =	vadd.f32 v11, v8  }
0x119: {  	v11 =	vld [tilespmem:s13+$0xF580]  }
0x11a: {  	v8 =	vadd.f32 v9, v8  }
0x11b: {  	v9 =	vld [tilespmem:s13+$0x10E80]  }
0x11c: {  	v8 =	vadd.f32 v10, v8  }
0x11d: {  	v10 =	vld [tilespmem:s13+$0x12780]  }
0x11e: {  	v8 =	vadd.f32 v11, v8  }
0x11f: {  	v11 =	vld [tilespmem:s13+$0x14080]  }
0x120: {  	v8 =	vadd.f32 v9, v8  }
0x121: {  	v9 =	vld [tilespmem:s13+$0x15980]  }
0x122: {  	v8 =	vadd.f32 v10, v8  }
0x123: {  	v10 =	vld [tilespmem:s13+$0x17280]  }
0x124: {  	v8 =	vadd.f32 v11, v8  }
0x125: {  	v11 =	vld [tilespmem:s13+$0x18B80]  }
0x126: {  	v8 =	vadd.f32 v9, v8;
	_ =	sdelay $0x1  }
0x127: {  	v8 =	vadd.f32 v10, v8;
	_ =	sdelay $0x1  }
0x128: {  	v8 =	vadd.f32 v11, v8  }
0x129: {  	s13 =	simm.s32 $0x1A480  }
0x12a: {  	s14 =	simm.s32 $0x1490;
	[tilespmem:s13+$0x0] =	vst v8  }
0x12b: {  	s15 =	simm.s32 $0x10;
	s16 =	simm.s32 $0x20;
	v8 =	vld [tilespmem:s14+$0x0]  }
.LBB2_9:
0x12c: {  	p0 =	sne.s32 s16, $0x18F0;
	s17 =	sand.u32 $0x1FF0, s15;
	s15 =	smov.u32 s16  }
0x12d: {  	v9 =	vld [tilespmem:s17+$0x2D80];
	_ =	sdelay $0x1  }
0x12e: {  	v10 =	vld [tilespmem:s17+$0x4680]  }
0x12f: {  	v8 =	vadd.f32 $0.0e+00, v8  }
0x130: {  	v11 =	vld [tilespmem:s17+$0x5F80]  }
0x131: {  	v8 =	vadd.f32 v9, v8  }
0x132: {  	v9 =	vld [tilespmem:s17+$0x7880]  }
0x133: {  	v8 =	vadd.f32 v10, v8  }
0x134: {  	v10 =	vld [tilespmem:s17+$0x9180]  }
0x135: {  	v8 =	vadd.f32 v11, v8  }
0x136: {  	v11 =	vld [tilespmem:s17+$0xAA80]  }
0x137: {  	v8 =	vadd.f32 v9, v8  }
0x138: {  	v9 =	vld [tilespmem:s17+$0xC380]  }
0x139: {  	v8 =	vadd.f32 v10, v8  }
0x13a: {  	v10 =	vld [tilespmem:s17+$0xDC80]  }
0x13b: {  	v8 =	vadd.f32 v11, v8  }
0x13c: {  	v11 =	vld [tilespmem:s17+$0xF580]  }
0x13d: {  	v8 =	vadd.f32 v9, v8  }
0x13e: {  	v9 =	vld [tilespmem:s17+$0x10E80]  }
0x13f: {  	v8 =	vadd.f32 v10, v8  }
0x140: {  	v10 =	vld [tilespmem:s17+$0x12780]  }
0x141: {  	v8 =	vadd.f32 v11, v8  }
0x142: {  	v11 =	vld [tilespmem:s17+$0x14080]  }
0x143: {  	v8 =	vadd.f32 v9, v8  }
0x144: {  	v9 =	vld [tilespmem:s17+$0x15980]  }
0x145: {  	v8 =	vadd.f32 v10, v8  }
0x146: {  	v10 =	vld [tilespmem:s17+$0x17280]  }
0x147: {  	v8 =	vadd.f32 v11, v8  }
0x148: {  	v11 =	vld [tilespmem:s17+$0x18B80]  }
0x149: {  	v8 =	vadd.f32 v9, v8;
	_ =	sdelay $0x1  }
0x14a: {  	v8 =	vadd.f32 v10, v8  }
.Ltmp4:
0x14b: {  	(pc) =	sbr.rel @p0 .LBB2_9-.Ltmp4, $4  }
0x14c: {  	v8 =	vadd.f32 v11, v8  }
0x14d: {  	s13 =	sadd.s32 $0x10, s13  }
0x14e: {  	s14 =	sadd.s32 $0x10, s14;
	[tilespmem:s13+$0x0] =	vst v8  }
0x14f: {  	s16 =	sadd.s32 $0x10, s16;
	v8 =	vld [tilespmem:s14+$0x0]  }
0x150: {  	s14 =	sand.u32 $0x1FF0, s15  }
0x151: {  	v9 =	vld [tilespmem:s14+$0x2D80];
	_ =	sdelay $0x1  }
0x152: {  	v10 =	vld [tilespmem:s14+$0x4680]  }
0x153: {  	v8 =	vadd.f32 $0.0e+00, v8  }
0x154: {  	v11 =	vld [tilespmem:s14+$0x5F80]  }
0x155: {  	v8 =	vadd.f32 v9, v8  }
0x156: {  	v47 =	vld [tilespmem:s14+$0x7880]  }
0x157: {  	v8 =	vadd.f32 v10, v8  }
0x158: {  	v48 =	vld [tilespmem:s14+$0x9180]  }
0x159: {  	v8 =	vadd.f32 v11, v8  }
0x15a: {  	v49 =	vld [tilespmem:s14+$0xAA80]  }
0x15b: {  	v8 =	vadd.f32 v47, v8  }
0x15c: {  	v50 =	vld [tilespmem:s14+$0xC380]  }
0x15d: {  	v8 =	vadd.f32 v48, v8  }
0x15e: {  	v51 =	vld [tilespmem:s14+$0xDC80]  }
0x15f: {  	v8 =	vadd.f32 v49, v8  }
0x160: {  	v52 =	vld [tilespmem:s14+$0xF580]  }
0x161: {  	v8 =	vadd.f32 v50, v8  }
0x162: {  	v53 =	vld [tilespmem:s14+$0x10E80]  }
0x163: {  	v8 =	vadd.f32 v51, v8  }
0x164: {  	v54 =	vld [tilespmem:s14+$0x12780]  }
0x165: {  	v8 =	vadd.f32 v52, v8  }
0x166: {  	v55 =	vld [tilespmem:s14+$0x14080]  }
0x167: {  	v8 =	vadd.f32 v53, v8  }
0x168: {  	v56 =	vld [tilespmem:s14+$0x15980]  }
0x169: {  	v8 =	vadd.f32 v54, v8  }
0x16a: {  	v57 =	vld [tilespmem:s14+$0x17280]  }
0x16b: {  	v8 =	vadd.f32 v55, v8  }
0x16c: {  	v58 =	vld [tilespmem:s14+$0x18B80]  }
0x16d: {  	v8 =	vadd.f32 v56, v8;
	_ =	sdelay $0x1  }
0x16e: {  	v8 =	vadd.f32 v57, v8;
	_ =	sdelay $0x1  }
0x16f: {  	v8 =	vadd.f32 v58, v8  }
0x170: {  	s13 =	sadd.s32 $0x10, s13  }
0x171: {  	[tilespmem:s13+$0x0] =	vst v8  }
0x172: {  	v8 =	vld [tilespmem:$0x1400];
	_ =	sdelay $0x1  }
0x173: {  	v59 =	vld.idx.msk [tilespmem:v0+s11+$0x0], $0xffff;
	_ =	sdelay $0x2  }
0x174: {  	v8 =	vmul.f32 v8, v8;
	_ =	sdelay $0x1  }
0x175: {  	v8 =	vadd.f32 v8, v59;
	_ =	sdelay $0x1  }
0x176: {  	[tilespmem:v0+s11+$0x0] =	vst.idx.msk $0xffff, v8  }
0x177: {  	v8 =	vld [tilespmem:$0x1410];
	_ =	sdelay $0x1  }
0x178: {  	v60 =	vld.idx.msk [tilespmem:v4+s11+$0x0], $0xffff;
	_ =	sdelay $0x2  }
0x179: {  	v8 =	vmul.f32 v8, v8;
	_ =	sdelay $0x1  }
0x17a: {  	v8 =	vadd.f32 v8, v60;
	_ =	sdelay $0x1  }
0x17b: {  	[tilespmem:v4+s11+$0x0] =	vst.idx.msk $0xffff, v8  }
0x17c: {  	v8 =	vld [tilespmem:$0x1420];
	_ =	sdelay $0x1  }
0x17d: {  	v61 =	vld.idx.msk [tilespmem:v5+s11+$0x0], $0xffff;
	_ =	sdelay $0x2  }
0x17e: {  	v8 =	vmul.f32 v8, v8;
	_ =	sdelay $0x1  }
0x17f: {  	v8 =	vadd.f32 v8, v61;
	_ =	sdelay $0x1  }
0x180: {  	[tilespmem:v5+s11+$0x0] =	vst.idx.msk $0xffff, v8  }
0x181: {  	v8 =	vld [tilespmem:$0x1430];
	_ =	sdelay $0x1  }
0x182: {  	v62 =	vld.idx.msk [tilespmem:v6+s11+$0x0], $0xffff;
	_ =	sdelay $0x2  }
0x183: {  	v8 =	vmul.f32 v8, v8;
	_ =	sdelay $0x1  }
0x184: {  	v8 =	vadd.f32 v8, v62;
	_ =	sdelay $0x1  }
0x185: {  	[tilespmem:v6+s11+$0x0] =	vst.idx.msk $0xffff, v8  }
0x186: {  	v8 =	vld [tilespmem:$0x1440];
	_ =	sdelay $0x1  }
0x187: {  	v63 =	vld.idx.msk [tilespmem:v7+s11+$0x0], $0xffff;
	_ =	sdelay $0x2  }
0x188: {  	v8 =	vmul.f32 v8, v8;
	_ =	sdelay $0x1  }
0x189: {  	s12 =	sadd.s32 $0x1, s12;
	v8 =	vadd.f32 v8, v63  }
0x18a: {  	p0 =	sne.s32 s12, s5  }
.Ltmp5:
0x18b: {  	[tilespmem:v7+s11+$0x0] =	vst.idx.msk $0x7fff, v8;
	(pc) =	sbr.rel @p0 .LBB2_2-.Ltmp5, $4  }
0x18c: {  	[hbm4b:s3+s6] =	stream.linear.scatter [tilespmem:s11], [sflag:$0x1], $0x1900, $0x38;
	[tilespmem:$0x1BD80] =	vst v63  }
0x18d: {  	_ =	swait.ge [sflag:s7], $0x1900  }
0x18e: {  	[sflag:s7] =	ssyncset.done $0x0  }
0x18f: {  	[sflag:s7] =	ssyncadd.s32 $0xFFFFE700  }
.LBB2_11:
0x190: {  	_ =	sfence.sel $0x180000  }
0x191: {  	[bflag:$0x0] =	sbarrier.arrive $0xFFFF  }
0x192: {  	p0 =	sne.s32 s0, $0x0;
	_ =	strace $0x90000047  }
0x193: {  	s0 =	sadd.s32 @!p0 $0x100000, s2;
	[bflag:$0x2] =	sbarrier.arrive $0xFFFF  }
0x194: {  	[sflag:s0] =	ssyncadd.tile.s32 @!p0 $0x1;
	_ =	shalt  }
.Lfunc_end2:
_tile_overlayer_lowered:
.L_overlay_start_2:
0x195: {  	(tag) =	ssettag $0x2  }
0x196: {  	s0 =	rddreg [dreg:$0x0];
	s2 =	stileid.u32  }
0x197: {  	s1 =	rddreg [dreg:$0x1];
	p0 =	sne.s32 s2, $0x0  }
0x198: {  	s3 =	rddreg [dreg:$0x2];
	[bflag:$0x3] =	sbarrier.arrive $0xFFFF;
	s2 =	simm.s32 @!p0 $0x1C01  }
0x199: {  	[timem:s3], [sflag:s2] =	dma.local @!p0 [hbm:s0], s1  }
0x19a: {  	s0 =	simm.s32 @!p0 $0x1  }
0x19b: {  	_ =	swait.ge @!p0 [sflag:s0], s1  }
0x19c: {  	s1 =	ssub.s32 @!p0 $0x0, s1;
	[sflag:s0] =	ssyncset.done @!p0 $0x0  }
0x19d: {  	[sflag:s0] =	ssyncadd.s32 @!p0 s1  }
0x19e: {  	[bflag:$0x3] =	sbarrier.arrive $0xFFFF  }
0x19f: {  	_ =	shalt  }

</sc_bundles>
